<compile_context>
chip_gen: v7x
topology: tpu7x:2x2x1
jax: 0.10.2.dev20260603
libtpu: 0.0.44.dev20260713+nightly
codegen_flags: <defaults>
</compile_context>

<pallas_src>
import jax
import jax.numpy as jnp
from jax import lax
from jax.experimental import pallas as pl
from jax.experimental.pallas import tpu as pltpu
from jax.experimental.pallas import tpu_sc as plsc

NUM_EMB = 1000000
Z_DIM = 64
BATCH = 16384

_info = plsc.get_sparse_core_info()
_NC, _NS = _info.num_cores, _info.num_subcores
_NW = _NC * _NS
NQ = (NUM_EMB + 127) // 128
QPW = (NQ + _NW - 1) // _NW
SLB = 7
HCAP = 2048 + 16
ICH = 2048
NSTG = 32


def _scan_body(idx_hbm, zt_hbm, out_hbm, idx_c0, idx_c1, hi_v, hb_v,
               slab0, slab1, stage_v, sem0, sem1, semo, semi0, semi1):
    wid = lax.axis_index("s") * _NC + lax.axis_index("c")
    q0 = wid * QPW
    q1 = jnp.minimum(q0 + QPW, NQ)
    nq = q1 - q0
    ns = (nq + SLB - 1) // SLB
    lane = lax.broadcasted_iota(jnp.int32, (16,), 0)

    def sbase(s):
        return jnp.minimum(q0 + SLB * s, NQ - SLB)

    def fetch(s, buf, sem):
        off = pl.multiple_of(sbase(s) * 128, 128)
        pltpu.async_copy(zt_hbm.at[:, pl.ds(off, SLB * 128)], buf, sem)

    def wait_slab(buf, sem):
        pltpu.make_async_copy(
            zt_hbm.at[:, pl.ds(0, SLB * 128)], buf, sem
        ).wait()

    fetch(0, slab0, sem0)
    fetch(1, slab1, sem1)

    ichks = [idx_c0, idx_c1]
    isems = [semi0, semi1]
    pltpu.async_copy(idx_hbm.at[pl.ds(0, ICH)], idx_c0, semi0)
    pltpu.async_copy(idx_hbm.at[pl.ds(ICH, ICH)], idx_c1, semi1)

    cnt = jnp.int32(0)
    for ch in range(BATCH // ICH):
        buf, sem = ichks[ch % 2], isems[ch % 2]
        pltpu.make_async_copy(idx_hbm.at[pl.ds(0, ICH)], buf, sem).wait()

        def fbody(v, cnt, buf=buf, ch=ch):
            iv = buf[pl.ds(v * 16, 16)]
            qv = lax.shift_right_arithmetic(iv, 7)
            m = (qv >= q0) & (qv < q1)
            plsc.store_compressed(hi_v.at[pl.ds(cnt, 16)], iv, mask=m)
            plsc.store_compressed(
                hb_v.at[pl.ds(cnt, 16)], ch * ICH + v * 16 + lane, mask=m)
            return cnt + plsc.all_reduce_population_count(m)[0]

        cnt = lax.fori_loop(0, ICH // 16, fbody, cnt)
        if ch + 2 < BATCH // ICH:
            pltpu.async_copy(
                idx_hbm.at[pl.ds((ch + 2) * ICH, ICH)], buf, sem)

    def process(buf, s, o):
        bq = sbase(s)
        qlo = q0 + SLB * s
        qhi = jnp.minimum(qlo + SLB, q1)

        def vbody(hv, o):
            iv = hi_v[pl.ds(hv * 16, 16)]
            qv = lax.shift_right_arithmetic(iv, 7)
            m = (hv * 16 + lane < cnt) & (qv >= qlo) & (qv < qhi)

            def ext_cond(st):
                mm, _ = st
                return jnp.any(mm)

            def ext_body(st):
                mm, o = st
                j = plsc.all_reduce_ffs(mm)[0]
                pos = jnp.broadcast_to(hv * 16 + j, (16,))
                i_h = plsc.load_gather(hi_v, [pos])[0]
                b_h = plsc.load_gather(hb_v, [pos])[0]
                c = jnp.broadcast_to(i_h - bq * 128, (16,))

                def drain():
                    pltpu.make_async_copy(
                        out_hbm.at[pl.ds(0, NSTG * Z_DIM)],
                        stage_v.at[pl.ds(0, NSTG * Z_DIM)],
                        semo,
                    ).wait()
                    return jnp.int32(0)

                o = lax.cond(o >= NSTG, drain, lambda: o)
                sb = pl.multiple_of(o * 128, 8)
                for k4 in range(4):
                    vals = plsc.load_gather(buf, [k4 * 16 + lane, c])
                    stage_v[pl.ds(sb + k4 * 16, 16)] = vals
                pltpu.async_copy(
                    stage_v.at[pl.ds(sb, Z_DIM)],
                    out_hbm.at[pl.ds(pl.multiple_of(b_h * Z_DIM, 8), Z_DIM)],
                    semo,
                )
                return mm & (lane != j), o + 1

            _, o = lax.while_loop(ext_cond, ext_body, (m, o))
            return o

        return lax.fori_loop(0, (cnt + 15) // 16, vbody, o)

    def tbody(t, o):
        a = 2 * t
        b = a + 1
        wait_slab(slab0, sem0)
        o = process(slab0, a, o)

        @pl.when(a + 2 < ns)
        def _():
            fetch(a + 2, slab0, sem0)

        def do_b(o):
            wait_slab(slab1, sem1)
            o = process(slab1, b, o)

            @pl.when(b + 2 < ns)
            def _():
                fetch(b + 2, slab1, sem1)

            return o

        return lax.cond(b < ns, do_b, lambda oo: oo, o)

    o = lax.fori_loop(0, (ns + 1) // 2, tbody, jnp.int32(0))

    def final_drain(_i, _c):
        pltpu.make_async_copy(
            out_hbm.at[pl.ds(0, Z_DIM)], stage_v.at[pl.ds(0, Z_DIM)], semo
        ).wait()
        return _c

    lax.fori_loop(0, o, final_drain, jnp.int32(0))


def kernel(indices, Z):
    mesh = plsc.VectorSubcoreMesh(core_axis_name="c", subcore_axis_name="s")
    f = pl.kernel(
        _scan_body,
        out_type=jax.ShapeDtypeStruct((BATCH * Z_DIM,), jnp.float32),
        mesh=mesh,
        scratch_types=[
            pltpu.VMEM((ICH,), jnp.int32),
            pltpu.VMEM((ICH,), jnp.int32),
            pltpu.VMEM((HCAP,), jnp.int32),
            pltpu.VMEM((HCAP,), jnp.int32),
            pltpu.VMEM((Z_DIM, SLB * 128), jnp.float32),
            pltpu.VMEM((Z_DIM, SLB * 128), jnp.float32),
            pltpu.VMEM((NSTG * 128,), jnp.float32),
            pltpu.SemaphoreType.DMA,
            pltpu.SemaphoreType.DMA,
            pltpu.SemaphoreType.DMA,
            pltpu.SemaphoreType.DMA,
            pltpu.SemaphoreType.DMA,
        ],
        compiler_params=pltpu.CompilerParams(needs_layout_passes=False),
    )
    out_flat = f(indices.astype(jnp.int32), Z.T)
    return out_flat.reshape(BATCH, Z_DIM)

# --- scband reference (transcript-rebuilt; emitter-appended) ---
"""Pipeline reference for scband-latent-variables-67044439491319 (READ-ONLY COPY).

The authoritative reference and input builder live on the scoring server;
editing this copy changes nothing except your own understanding.
"""

import jax, jax.numpy as jnp
import numpy as np

NUM_EMB = 1000000
Z_DIM = 64
BATCH = 16384


def _project_to_l2_ball(z):
    norms = jnp.sqrt(jnp.sum(z ** 2, axis=1, keepdims=True))
    return z / jnp.maximum(norms, 1.0)


def setup_inputs(seed: int = 0) -> dict:
    key = jax.random.key(seed)
    k_idx, k_z = jax.random.split(key)
    indices = jax.random.randint(k_idx, (BATCH,), 0, NUM_EMB, dtype=jnp.int64 if jax.config.jax_enable_x64 else jnp.int32)
    # learned latent table, initialized like the PCA-init latents projected to the L2 ball
    Z = jax.random.normal(k_z, (NUM_EMB, Z_DIM), dtype=jnp.float32)
    Z = _project_to_l2_ball(Z)
    return {"indices": indices, "Z": Z}


def reference(indices, Z):
    # forward: self.Z[indices]  (embedding lookup / gather)
    return jnp.take(Z, indices, axis=0)

if __name__ == "__main__":
    import jax
    _d = setup_inputs()
    print(jax.jit(kernel)(*tuple(_d.values())))

</pallas_src>

<mosaic_0001>
#map = affine_map<(d0, d1) -> (0)>
#map1 = affine_map<(d0, d1) -> (0, 0)>
module attributes {stable_mosaic.version = 14 : i64} {
  func.func @_scan_body(%arg0: i32, %arg1: i32, %arg2: memref<16384xi32, #tpu.memory_space<hbm>>, %arg3: memref<64x1000000xf32, #tpu.memory_space<hbm>>, %arg4: memref<1048576xf32, #tpu.memory_space<hbm>>, %arg5: memref<2048xi32, #tpu.memory_space<vmem>>, %arg6: memref<2048xi32, #tpu.memory_space<vmem>>, %arg7: memref<2064xi32, #tpu.memory_space<vmem>>, %arg8: memref<2064xi32, #tpu.memory_space<vmem>>, %arg9: memref<64x896xf32, #tpu.memory_space<vmem>>, %arg10: memref<64x896xf32, #tpu.memory_space<vmem>>, %arg11: memref<4096xf32, #tpu.memory_space<vmem>>, %arg12: memref<!tpu.dma_semaphore, #tpu.memory_space<semaphore_mem>>, %arg13: memref<!tpu.dma_semaphore, #tpu.memory_space<semaphore_mem>>, %arg14: memref<!tpu.dma_semaphore, #tpu.memory_space<semaphore_mem>>, %arg15: memref<!tpu.dma_semaphore, #tpu.memory_space<semaphore_mem>>, %arg16: memref<!tpu.dma_semaphore, #tpu.memory_space<semaphore_mem>>) attributes {dimension_semantics = [#tpu.dimension_semantics<core_parallel>, #tpu.dimension_semantics<subcore_parallel>], iteration_bounds = array<i64: 2, 16>, scalar_prefetch = 0 : i64, scratch_operands = 12 : i64, tpu.core_type = #tpu.core_type<sc_vector_subcore>, window_params = [{transform_indices = #map}, {transform_indices = #map1}, {transform_indices = #map}]} {
    %mul3A = arith.constant 2 : i32
    %mul3A_0 = arith.muli %arg1, %mul3A : i32
    %add3A = arith.addi %mul3A_0, %arg0 : i32
    %mul3A_1 = arith.constant 245 : i32
    %mul3A_2 = arith.muli %add3A, %mul3A_1 : i32
    %add3A_3 = arith.constant 245 : i32
    %add3A_4 = arith.addi %mul3A_2, %add3A_3 : i32
    %min3A = arith.constant 7813 : i32
    %min3A_5 = arith.minsi %add3A_4, %min3A : i32
    %sub3A = arith.subi %min3A_5, %mul3A_2 : i32
    %add3A_6 = arith.constant 7 : i32
    %add3A_7 = arith.addi %sub3A, %add3A_6 : i32
    %sub3A_8 = arith.constant 1 : i32
    %sub3A_9 = arith.subi %add3A_7, %sub3A_8 : i32
    %jit3A = arith.constant 7 : i32
    %div3A = arith.divsi %sub3A_9, %jit3A : i32
    %sign3A = arith.constant 0 : i32
    %sign3A_10 = arith.cmpi sgt, %sub3A_9, %sign3A : i32
    %sign3A_11 = arith.extui %sign3A_10 : i1 to i32
    %sign3A_12 = arith.constant 0 : i32
    %sign3A_13 = arith.cmpi slt, %sub3A_9, %sign3A_12 : i32
    %sign3A_14 = arith.extui %sign3A_13 : i1 to i32
    %sign3A_15 = arith.subi %sign3A_11, %sign3A_14 : i32
    %sign3A_16 = arith.constant 0 : i32
    %sign3A_17 = arith.cmpi sgt, %jit3A, %sign3A_16 : i32
    %sign3A_18 = arith.extui %sign3A_17 : i1 to i32
    %sign3A_19 = arith.constant 0 : i32
    %sign3A_20 = arith.cmpi slt, %jit3A, %sign3A_19 : i32
    %sign3A_21 = arith.extui %sign3A_20 : i1 to i32
    %sign3A_22 = arith.subi %sign3A_18, %sign3A_21 : i32
    %ne3A = arith.cmpi ne, %sign3A_15, %sign3A_22 : i32
    %rem3A = arith.remsi %sub3A_9, %jit3A : i32
    %ne3A_23 = arith.constant 0 : i32
    %ne3A_24 = arith.cmpi ne, %rem3A, %ne3A_23 : i32
    %and3A = arith.andi %ne3A, %ne3A_24 : i1
    %sub3A_25 = arith.constant 1 : i32
    %sub3A_26 = arith.subi %div3A, %sub3A_25 : i32
    %select_n3A = arith.select %and3A, %sub3A_26, %div3A : i32
    %iota3A = tpu.iota {dimensions = array<i32: 0>} : vector<16xi32>
    %add3A_27 = arith.constant 0 : i32
    %add3A_28 = arith.addi %mul3A_2, %add3A_27 : i32
    %min3A_29 = arith.constant 7806 : i32
    %min3A_30 = arith.minsi %add3A_28, %min3A_29 : i32
    %mul3A_31 = arith.constant 128 : i32
    %mul3A_32 = arith.muli %min3A_30, %mul3A_31 : i32
    %multiple_of3A = tpu.assume_multiple %mul3A_32, 128 : i32
    %dma_start3A = arith.constant 0 : i32
    %dma_start3A_33 = tpu.memref_slice %arg3[%dma_start3A, %multiple_of3A] : memref<64x1000000xf32, #tpu.memory_space<hbm>> -> memref<64x896xf32, #tpu.memory_space<hbm>>
    %dma_start3A_34 = arith.constant 0 : i32
    %dma_start3A_35 = tpu.memref_slice %arg3[%dma_start3A_34, %multiple_of3A] : memref<64x1000000xf32, #tpu.memory_space<hbm>> -> memref<64x896xf32, #tpu.memory_space<hbm>>
    tpu.enqueue_dma source(%dma_start3A_35 : memref<64x896xf32, #tpu.memory_space<hbm>>) target(%arg9 : memref<64x896xf32, #tpu.memory_space<vmem>>) target_semaphore(%arg12 : memref<!tpu.dma_semaphore, #tpu.memory_space<semaphore_mem>>)
    %add3A_36 = arith.constant 7 : i32
    %add3A_37 = arith.addi %mul3A_2, %add3A_36 : i32
    %min3A_38 = arith.constant 7806 : i32
    %min3A_39 = arith.minsi %add3A_37, %min3A_38 : i32
    %mul3A_40 = arith.constant 128 : i32
    %mul3A_41 = arith.muli %min3A_39, %mul3A_40 : i32
    %multiple_of3A_42 = tpu.assume_multiple %mul3A_41, 128 : i32
    %dma_start3A_43 = arith.constant 0 : i32
    %dma_start3A_44 = tpu.memref_slice %arg3[%dma_start3A_43, %multiple_of3A_42] : memref<64x1000000xf32, #tpu.memory_space<hbm>> -> memref<64x896xf32, #tpu.memory_space<hbm>>
    %dma_start3A_45 = arith.constant 0 : i32
    %dma_start3A_46 = tpu.memref_slice %arg3[%dma_start3A_45, %multiple_of3A_42] : memref<64x1000000xf32, #tpu.memory_space<hbm>> -> memref<64x896xf32, #tpu.memory_space<hbm>>
    tpu.enqueue_dma source(%dma_start3A_46 : memref<64x896xf32, #tpu.memory_space<hbm>>) target(%arg10 : memref<64x896xf32, #tpu.memory_space<vmem>>) target_semaphore(%arg13 : memref<!tpu.dma_semaphore, #tpu.memory_space<semaphore_mem>>)
    %dma_start3A_47 = arith.constant 0 : i32
    %dma_start3A_48 = tpu.memref_slice %arg2[%dma_start3A_47] : memref<16384xi32, #tpu.memory_space<hbm>> -> memref<2048xi32, #tpu.memory_space<hbm>>
    %dma_start3A_49 = arith.constant 0 : i32
    %dma_start3A_50 = tpu.memref_slice %arg2[%dma_start3A_49] : memref<16384xi32, #tpu.memory_space<hbm>> -> memref<2048xi32, #tpu.memory_space<hbm>>
    tpu.enqueue_dma source(%dma_start3A_50 : memref<2048xi32, #tpu.memory_space<hbm>>) target(%arg5 : memref<2048xi32, #tpu.memory_space<vmem>>) target_semaphore(%arg15 : memref<!tpu.dma_semaphore, #tpu.memory_space<semaphore_mem>>)
    %dma_start3A_51 = arith.constant 2048 : i32
    %dma_start3A_52 = tpu.memref_slice %arg2[%dma_start3A_51] : memref<16384xi32, #tpu.memory_space<hbm>> -> memref<2048xi32, #tpu.memory_space<hbm>>
    %dma_start3A_53 = arith.constant 2048 : i32
    %dma_start3A_54 = tpu.memref_slice %arg2[%dma_start3A_53] : memref<16384xi32, #tpu.memory_space<hbm>> -> memref<2048xi32, #tpu.memory_space<hbm>>
    tpu.enqueue_dma source(%dma_start3A_54 : memref<2048xi32, #tpu.memory_space<hbm>>) target(%arg6 : memref<2048xi32, #tpu.memory_space<vmem>>) target_semaphore(%arg16 : memref<!tpu.dma_semaphore, #tpu.memory_space<semaphore_mem>>)
    %dma_wait3A = arith.constant 0 : i32
    %dma_wait3A_55 = tpu.memref_slice %arg2[%dma_wait3A] : memref<16384xi32, #tpu.memory_space<hbm>> -> memref<2048xi32, #tpu.memory_space<hbm>>
    %dma_wait3A_56 = arith.constant 0 : i32
    %dma_wait3A_57 = tpu.memref_slice %arg2[%dma_wait3A_56] : memref<16384xi32, #tpu.memory_space<hbm>> -> memref<2048xi32, #tpu.memory_space<hbm>>
    tpu.wait_dma2 semaphore(%arg15 : memref<!tpu.dma_semaphore, #tpu.memory_space<semaphore_mem>>) src(%dma_wait3A_57 : memref<2048xi32, #tpu.memory_space<hbm>>) dst(%arg5 : memref<2048xi32, #tpu.memory_space<vmem>>)
    %scan3A = arith.constant 0 : i32
    %scan3A_58 = arith.constant 0 : i32
    %scan3A_59 = arith.constant 128 : i32
    %scan3A_60 = arith.addi %scan3A_58, %scan3A_59 : i32
    %scan3A_61 = arith.constant 1 : i32
    %scan3A_62 = scf.for %scan3A_205 = %scan3A_58 to %scan3A_60 step %scan3A_61 iter_args(%scan3A_206 = %scan3A) -> (i32)  : i32 {
      %mul3A_207 = arith.constant 16 : i32
      %mul3A_208 = arith.muli %scan3A_205, %mul3A_207 : i32
      %get3A = arith.index_cast %mul3A_208 : i32 to index
      %get3A_209 = tpu.vector_load %arg5[%get3A] {strides = array<i32>} : memref<2048xi32, #tpu.memory_space<vmem>>, vector<16xi32>,
      %shift_right_arithmetic3A = arith.constant 7 : i32
      %shift_right_arithmetic3A_210 = vector.broadcast %shift_right_arithmetic3A : i32 to vector<16xi32>
      %shift_right_arithmetic3A_211 = arith.shrsi %get3A_209, %shift_right_arithmetic3A_210 : vector<16xi32>
      %ge3A = vector.broadcast %mul3A_2 : i32 to vector<16xi32>
      %ge3A_212 = arith.cmpi sge, %shift_right_arithmetic3A_211, %ge3A : vector<16xi32>
      %lt3A = vector.broadcast %min3A_5 : i32 to vector<16xi32>
      %lt3A_213 = arith.cmpi slt, %shift_right_arithmetic3A_211, %lt3A : vector<16xi32>
      %and3A_214 = arith.andi %ge3A_212, %lt3A_213 : vector<16xi1>
      %swap3A = arith.index_cast %scan3A_206 : i32 to index
      %swap3A_215 = tpu.vector_load %arg7[%swap3A] masked %and3A_214 {strides = array<i32>} : memref<2064xi32, #tpu.memory_space<vmem>>, vector<16xi32>, vector<16xi1>
      tpu.vector_store %arg7[%swap3A], %get3A_209 masked %and3A_214 {strides = array<i32>} : memref<2064xi32, #tpu.memory_space<vmem>>, vector<16xi32>, vector<16xi1>
      %mul3A_216 = arith.constant 16 : i32
      %mul3A_217 = arith.muli %scan3A_205, %mul3A_216 : i32
      %add3A_218 = arith.constant 0 : i32
      %add3A_219 = arith.addi %add3A_218, %mul3A_217 : i32
      %add3A_220 = vector.broadcast %add3A_219 : i32 to vector<16xi32>
      %add3A_221 = arith.addi %add3A_220, %iota3A : vector<16xi32>
      %swap3A_222 = arith.index_cast %scan3A_206 : i32 to index
      %swap3A_223 = tpu.vector_load %arg8[%swap3A_222] masked %and3A_214 {strides = array<i32>} : memref<2064xi32, #tpu.memory_space<vmem>>, vector<16xi32>, vector<16xi1>
      tpu.vector_store %arg8[%swap3A_222], %add3A_221 masked %and3A_214 {strides = array<i32>} : memref<2064xi32, #tpu.memory_space<vmem>>, vector<16xi32>, vector<16xi1>
      %all_reduce_population_count3A = tpu.all_reduce %and3A_214 {dim = 0 : i64, kind = #tpu.reduction_kind<sum>} : vector<16xi1> -> vector<16xi32>
      %slice3A = vector.extract_strided_slice %all_reduce_population_count3A {offsets = [0], sizes = [1], strides = [1]} : vector<16xi32> to vector<1xi32>
      %squeeze3A = vector.extract %slice3A[0] : i32 from vector<1xi32>
      %add3A_224 = arith.addi %scan3A_206, %squeeze3A : i32
      scf.yield %add3A_224 : i32
    }
    %scan3A_63 = arith.constant 128 : i32
    %dma_start3A_64 = arith.constant 4096 : i32
    %dma_start3A_65 = tpu.memref_slice %arg2[%dma_start3A_64] : memref<16384xi32, #tpu.memory_space<hbm>> -> memref<2048xi32, #tpu.memory_space<hbm>>
    %dma_start3A_66 = arith.constant 4096 : i32
    %dma_start3A_67 = tpu.memref_slice %arg2[%dma_start3A_66] : memref<16384xi32, #tpu.memory_space<hbm>> -> memref<2048xi32, #tpu.memory_space<hbm>>
    tpu.enqueue_dma source(%dma_start3A_67 : memref<2048xi32, #tpu.memory_space<hbm>>) target(%arg5 : memref<2048xi32, #tpu.memory_space<vmem>>) target_semaphore(%arg15 : memref<!tpu.dma_semaphore, #tpu.memory_space<semaphore_mem>>)
    %dma_wait3A_68 = arith.constant 0 : i32
    %dma_wait3A_69 = tpu.memref_slice %arg2[%dma_wait3A_68] : memref<16384xi32, #tpu.memory_space<hbm>> -> memref<2048xi32, #tpu.memory_space<hbm>>
    %dma_wait3A_70 = arith.constant 0 : i32
    %dma_wait3A_71 = tpu.memref_slice %arg2[%dma_wait3A_70] : memref<16384xi32, #tpu.memory_space<hbm>> -> memref<2048xi32, #tpu.memory_space<hbm>>
    tpu.wait_dma2 semaphore(%arg16 : memref<!tpu.dma_semaphore, #tpu.memory_space<semaphore_mem>>) src(%dma_wait3A_71 : memref<2048xi32, #tpu.memory_space<hbm>>) dst(%arg6 : memref<2048xi32, #tpu.memory_space<vmem>>)
    %scan3A_72 = arith.constant 0 : i32
    %scan3A_73 = arith.constant 128 : i32
    %scan3A_74 = arith.addi %scan3A_72, %scan3A_73 : i32
    %scan3A_75 = arith.constant 1 : i32
    %scan3A_76 = scf.for %scan3A_205 = %scan3A_72 to %scan3A_74 step %scan3A_75 iter_args(%scan3A_206 = %scan3A_62) -> (i32)  : i32 {
      %mul3A_207 = arith.constant 16 : i32
      %mul3A_208 = arith.muli %scan3A_205, %mul3A_207 : i32
      %get3A = arith.index_cast %mul3A_208 : i32 to index
      %get3A_209 = tpu.vector_load %arg6[%get3A] {strides = array<i32>} : memref<2048xi32, #tpu.memory_space<vmem>>, vector<16xi32>,
      %shift_right_arithmetic3A = arith.constant 7 : i32
      %shift_right_arithmetic3A_210 = vector.broadcast %shift_right_arithmetic3A : i32 to vector<16xi32>
      %shift_right_arithmetic3A_211 = arith.shrsi %get3A_209, %shift_right_arithmetic3A_210 : vector<16xi32>
      %ge3A = vector.broadcast %mul3A_2 : i32 to vector<16xi32>
      %ge3A_212 = arith.cmpi sge, %shift_right_arithmetic3A_211, %ge3A : vector<16xi32>
      %lt3A = vector.broadcast %min3A_5 : i32 to vector<16xi32>
      %lt3A_213 = arith.cmpi slt, %shift_right_arithmetic3A_211, %lt3A : vector<16xi32>
      %and3A_214 = arith.andi %ge3A_212, %lt3A_213 : vector<16xi1>
      %swap3A = arith.index_cast %scan3A_206 : i32 to index
      %swap3A_215 = tpu.vector_load %arg7[%swap3A] masked %and3A_214 {strides = array<i32>} : memref<2064xi32, #tpu.memory_space<vmem>>, vector<16xi32>, vector<16xi1>
      tpu.vector_store %arg7[%swap3A], %get3A_209 masked %and3A_214 {strides = array<i32>} : memref<2064xi32, #tpu.memory_space<vmem>>, vector<16xi32>, vector<16xi1>
      %mul3A_216 = arith.constant 16 : i32
      %mul3A_217 = arith.muli %scan3A_205, %mul3A_216 : i32
      %add3A_218 = arith.constant 2048 : i32
      %add3A_219 = arith.addi %add3A_218, %mul3A_217 : i32
      %add3A_220 = vector.broadcast %add3A_219 : i32 to vector<16xi32>
      %add3A_221 = arith.addi %add3A_220, %iota3A : vector<16xi32>
      %swap3A_222 = arith.index_cast %scan3A_206 : i32 to index
      %swap3A_223 = tpu.vector_load %arg8[%swap3A_222] masked %and3A_214 {strides = array<i32>} : memref<2064xi32, #tpu.memory_space<vmem>>, vector<16xi32>, vector<16xi1>
      tpu.vector_store %arg8[%swap3A_222], %add3A_221 masked %and3A_214 {strides = array<i32>} : memref<2064xi32, #tpu.memory_space<vmem>>, vector<16xi32>, vector<16xi1>
      %all_reduce_population_count3A = tpu.all_reduce %and3A_214 {dim = 0 : i64, kind = #tpu.reduction_kind<sum>} : vector<16xi1> -> vector<16xi32>
      %slice3A = vector.extract_strided_slice %all_reduce_population_count3A {offsets = [0], sizes = [1], strides = [1]} : vector<16xi32> to vector<1xi32>
      %squeeze3A = vector.extract %slice3A[0] : i32 from vector<1xi32>
      %add3A_224 = arith.addi %scan3A_206, %squeeze3A : i32
      scf.yield %add3A_224 : i32
    }
    %scan3A_77 = arith.constant 128 : i32
    %dma_start3A_78 = arith.constant 6144 : i32
    %dma_start3A_79 = tpu.memref_slice %arg2[%dma_start3A_78] : memref<16384xi32, #tpu.memory_space<hbm>> -> memref<2048xi32, #tpu.memory_space<hbm>>
    %dma_start3A_80 = arith.constant 6144 : i32
    %dma_start3A_81 = tpu.memref_slice %arg2[%dma_start3A_80] : memref<16384xi32, #tpu.memory_space<hbm>> -> memref<2048xi32, #tpu.memory_space<hbm>>
    tpu.enqueue_dma source(%dma_start3A_81 : memref<2048xi32, #tpu.memory_space<hbm>>) target(%arg6 : memref<2048xi32, #tpu.memory_space<vmem>>) target_semaphore(%arg16 : memref<!tpu.dma_semaphore, #tpu.memory_space<semaphore_mem>>)
    %dma_wait3A_82 = arith.constant 0 : i32
    %dma_wait3A_83 = tpu.memref_slice %arg2[%dma_wait3A_82] : memref<16384xi32, #tpu.memory_space<hbm>> -> memref<2048xi32, #tpu.memory_space<hbm>>
    %dma_wait3A_84 = arith.constant 0 : i32
    %dma_wait3A_85 = tpu.memref_slice %arg2[%dma_wait3A_84] : memref<16384xi32, #tpu.memory_space<hbm>> -> memref<2048xi32, #tpu.memory_space<hbm>>
    tpu.wait_dma2 semaphore(%arg15 : memref<!tpu.dma_semaphore, #tpu.memory_space<semaphore_mem>>) src(%dma_wait3A_85 : memref<2048xi32, #tpu.memory_space<hbm>>) dst(%arg5 : memref<2048xi32, #tpu.memory_space<vmem>>)
    %scan3A_86 = arith.constant 0 : i32
    %scan3A_87 = arith.constant 128 : i32
    %scan3A_88 = arith.addi %scan3A_86, %scan3A_87 : i32
    %scan3A_89 = arith.constant 1 : i32
    %scan3A_90 = scf.for %scan3A_205 = %scan3A_86 to %scan3A_88 step %scan3A_89 iter_args(%scan3A_206 = %scan3A_76) -> (i32)  : i32 {
      %mul3A_207 = arith.constant 16 : i32
      %mul3A_208 = arith.muli %scan3A_205, %mul3A_207 : i32
      %get3A = arith.index_cast %mul3A_208 : i32 to index
      %get3A_209 = tpu.vector_load %arg5[%get3A] {strides = array<i32>} : memref<2048xi32, #tpu.memory_space<vmem>>, vector<16xi32>,
      %shift_right_arithmetic3A = arith.constant 7 : i32
      %shift_right_arithmetic3A_210 = vector.broadcast %shift_right_arithmetic3A : i32 to vector<16xi32>
      %shift_right_arithmetic3A_211 = arith.shrsi %get3A_209, %shift_right_arithmetic3A_210 : vector<16xi32>
      %ge3A = vector.broadcast %mul3A_2 : i32 to vector<16xi32>
      %ge3A_212 = arith.cmpi sge, %shift_right_arithmetic3A_211, %ge3A : vector<16xi32>
      %lt3A = vector.broadcast %min3A_5 : i32 to vector<16xi32>
      %lt3A_213 = arith.cmpi slt, %shift_right_arithmetic3A_211, %lt3A : vector<16xi32>
      %and3A_214 = arith.andi %ge3A_212, %lt3A_213 : vector<16xi1>
      %swap3A = arith.index_cast %scan3A_206 : i32 to index
      %swap3A_215 = tpu.vector_load %arg7[%swap3A] masked %and3A_214 {strides = array<i32>} : memref<2064xi32, #tpu.memory_space<vmem>>, vector<16xi32>, vector<16xi1>
      tpu.vector_store %arg7[%swap3A], %get3A_209 masked %and3A_214 {strides = array<i32>} : memref<2064xi32, #tpu.memory_space<vmem>>, vector<16xi32>, vector<16xi1>
      %mul3A_216 = arith.constant 16 : i32
      %mul3A_217 = arith.muli %scan3A_205, %mul3A_216 : i32
      %add3A_218 = arith.constant 4096 : i32
      %add3A_219 = arith.addi %add3A_218, %mul3A_217 : i32
      %add3A_220 = vector.broadcast %add3A_219 : i32 to vector<16xi32>
      %add3A_221 = arith.addi %add3A_220, %iota3A : vector<16xi32>
      %swap3A_222 = arith.index_cast %scan3A_206 : i32 to index
      %swap3A_223 = tpu.vector_load %arg8[%swap3A_222] masked %and3A_214 {strides = array<i32>} : memref<2064xi32, #tpu.memory_space<vmem>>, vector<16xi32>, vector<16xi1>
      tpu.vector_store %arg8[%swap3A_222], %add3A_221 masked %and3A_214 {strides = array<i32>} : memref<2064xi32, #tpu.memory_space<vmem>>, vector<16xi32>, vector<16xi1>
      %all_reduce_population_count3A = tpu.all_reduce %and3A_214 {dim = 0 : i64, kind = #tpu.reduction_kind<sum>} : vector<16xi1> -> vector<16xi32>
      %slice3A = vector.extract_strided_slice %all_reduce_population_count3A {offsets = [0], sizes = [1], strides = [1]} : vector<16xi32> to vector<1xi32>
      %squeeze3A = vector.extract %slice3A[0] : i32 from vector<1xi32>
      %add3A_224 = arith.addi %scan3A_206, %squeeze3A : i32
      scf.yield %add3A_224 : i32
    }
    %scan3A_91 = arith.constant 128 : i32
    %dma_start3A_92 = arith.constant 8192 : i32
    %dma_start3A_93 = tpu.memref_slice %arg2[%dma_start3A_92] : memref<16384xi32, #tpu.memory_space<hbm>> -> memref<2048xi32, #tpu.memory_space<hbm>>
    %dma_start3A_94 = arith.constant 8192 : i32
    %dma_start3A_95 = tpu.memref_slice %arg2[%dma_start3A_94] : memref<16384xi32, #tpu.memory_space<hbm>> -> memref<2048xi32, #tpu.memory_space<hbm>>
    tpu.enqueue_dma source(%dma_start3A_95 : memref<2048xi32, #tpu.memory_space<hbm>>) target(%arg5 : memref<2048xi32, #tpu.memory_space<vmem>>) target_semaphore(%arg15 : memref<!tpu.dma_semaphore, #tpu.memory_space<semaphore_mem>>)
    %dma_wait3A_96 = arith.constant 0 : i32
    %dma_wait3A_97 = tpu.memref_slice %arg2[%dma_wait3A_96] : memref<16384xi32, #tpu.memory_space<hbm>> -> memref<2048xi32, #tpu.memory_space<hbm>>
    %dma_wait3A_98 = arith.constant 0 : i32
    %dma_wait3A_99 = tpu.memref_slice %arg2[%dma_wait3A_98] : memref<16384xi32, #tpu.memory_space<hbm>> -> memref<2048xi32, #tpu.memory_space<hbm>>
    tpu.wait_dma2 semaphore(%arg16 : memref<!tpu.dma_semaphore, #tpu.memory_space<semaphore_mem>>) src(%dma_wait3A_99 : memref<2048xi32, #tpu.memory_space<hbm>>) dst(%arg6 : memref<2048xi32, #tpu.memory_space<vmem>>)
    %scan3A_100 = arith.constant 0 : i32
    %scan3A_101 = arith.constant 128 : i32
    %scan3A_102 = arith.addi %scan3A_100, %scan3A_101 : i32
    %scan3A_103 = arith.constant 1 : i32
    %scan3A_104 = scf.for %scan3A_205 = %scan3A_100 to %scan3A_102 step %scan3A_103 iter_args(%scan3A_206 = %scan3A_90) -> (i32)  : i32 {
      %mul3A_207 = arith.constant 16 : i32
      %mul3A_208 = arith.muli %scan3A_205, %mul3A_207 : i32
      %get3A = arith.index_cast %mul3A_208 : i32 to index
      %get3A_209 = tpu.vector_load %arg6[%get3A] {strides = array<i32>} : memref<2048xi32, #tpu.memory_space<vmem>>, vector<16xi32>,
      %shift_right_arithmetic3A = arith.constant 7 : i32
      %shift_right_arithmetic3A_210 = vector.broadcast %shift_right_arithmetic3A : i32 to vector<16xi32>
      %shift_right_arithmetic3A_211 = arith.shrsi %get3A_209, %shift_right_arithmetic3A_210 : vector<16xi32>
      %ge3A = vector.broadcast %mul3A_2 : i32 to vector<16xi32>
      %ge3A_212 = arith.cmpi sge, %shift_right_arithmetic3A_211, %ge3A : vector<16xi32>
      %lt3A = vector.broadcast %min3A_5 : i32 to vector<16xi32>
      %lt3A_213 = arith.cmpi slt, %shift_right_arithmetic3A_211, %lt3A : vector<16xi32>
      %and3A_214 = arith.andi %ge3A_212, %lt3A_213 : vector<16xi1>
      %swap3A = arith.index_cast %scan3A_206 : i32 to index
      %swap3A_215 = tpu.vector_load %arg7[%swap3A] masked %and3A_214 {strides = array<i32>} : memref<2064xi32, #tpu.memory_space<vmem>>, vector<16xi32>, vector<16xi1>
      tpu.vector_store %arg7[%swap3A], %get3A_209 masked %and3A_214 {strides = array<i32>} : memref<2064xi32, #tpu.memory_space<vmem>>, vector<16xi32>, vector<16xi1>
      %mul3A_216 = arith.constant 16 : i32
      %mul3A_217 = arith.muli %scan3A_205, %mul3A_216 : i32
      %add3A_218 = arith.constant 6144 : i32
      %add3A_219 = arith.addi %add3A_218, %mul3A_217 : i32
      %add3A_220 = vector.broadcast %add3A_219 : i32 to vector<16xi32>
      %add3A_221 = arith.addi %add3A_220, %iota3A : vector<16xi32>
      %swap3A_222 = arith.index_cast %scan3A_206 : i32 to index
      %swap3A_223 = tpu.vector_load %arg8[%swap3A_222] masked %and3A_214 {strides = array<i32>} : memref<2064xi32, #tpu.memory_space<vmem>>, vector<16xi32>, vector<16xi1>
      tpu.vector_store %arg8[%swap3A_222], %add3A_221 masked %and3A_214 {strides = array<i32>} : memref<2064xi32, #tpu.memory_space<vmem>>, vector<16xi32>, vector<16xi1>
      %all_reduce_population_count3A = tpu.all_reduce %and3A_214 {dim = 0 : i64, kind = #tpu.reduction_kind<sum>} : vector<16xi1> -> vector<16xi32>
      %slice3A = vector.extract_strided_slice %all_reduce_population_count3A {offsets = [0], sizes = [1], strides = [1]} : vector<16xi32> to vector<1xi32>
      %squeeze3A = vector.extract %slice3A[0] : i32 from vector<1xi32>
      %add3A_224 = arith.addi %scan3A_206, %squeeze3A : i32
      scf.yield %add3A_224 : i32
    }
    %scan3A_105 = arith.constant 128 : i32
    %dma_start3A_106 = arith.constant 10240 : i32
    %dma_start3A_107 = tpu.memref_slice %arg2[%dma_start3A_106] : memref<16384xi32, #tpu.memory_space<hbm>> -> memref<2048xi32, #tpu.memory_space<hbm>>
    %dma_start3A_108 = arith.constant 10240 : i32
    %dma_start3A_109 = tpu.memref_slice %arg2[%dma_start3A_108] : memref<16384xi32, #tpu.memory_space<hbm>> -> memref<2048xi32, #tpu.memory_space<hbm>>
    tpu.enqueue_dma source(%dma_start3A_109 : memref<2048xi32, #tpu.memory_space<hbm>>) target(%arg6 : memref<2048xi32, #tpu.memory_space<vmem>>) target_semaphore(%arg16 : memref<!tpu.dma_semaphore, #tpu.memory_space<semaphore_mem>>)
    %dma_wait3A_110 = arith.constant 0 : i32
    %dma_wait3A_111 = tpu.memref_slice %arg2[%dma_wait3A_110] : memref<16384xi32, #tpu.memory_space<hbm>> -> memref<2048xi32, #tpu.memory_space<hbm>>
    %dma_wait3A_112 = arith.constant 0 : i32
    %dma_wait3A_113 = tpu.memref_slice %arg2[%dma_wait3A_112] : memref<16384xi32, #tpu.memory_space<hbm>> -> memref<2048xi32, #tpu.memory_space<hbm>>
    tpu.wait_dma2 semaphore(%arg15 : memref<!tpu.dma_semaphore, #tpu.memory_space<semaphore_mem>>) src(%dma_wait3A_113 : memref<2048xi32, #tpu.memory_space<hbm>>) dst(%arg5 : memref<2048xi32, #tpu.memory_space<vmem>>)
    %scan3A_114 = arith.constant 0 : i32
    %scan3A_115 = arith.constant 128 : i32
    %scan3A_116 = arith.addi %scan3A_114, %scan3A_115 : i32
    %scan3A_117 = arith.constant 1 : i32
    %scan3A_118 = scf.for %scan3A_205 = %scan3A_114 to %scan3A_116 step %scan3A_117 iter_args(%scan3A_206 = %scan3A_104) -> (i32)  : i32 {
      %mul3A_207 = arith.constant 16 : i32
      %mul3A_208 = arith.muli %scan3A_205, %mul3A_207 : i32
      %get3A = arith.index_cast %mul3A_208 : i32 to index
      %get3A_209 = tpu.vector_load %arg5[%get3A] {strides = array<i32>} : memref<2048xi32, #tpu.memory_space<vmem>>, vector<16xi32>,
      %shift_right_arithmetic3A = arith.constant 7 : i32
      %shift_right_arithmetic3A_210 = vector.broadcast %shift_right_arithmetic3A : i32 to vector<16xi32>
      %shift_right_arithmetic3A_211 = arith.shrsi %get3A_209, %shift_right_arithmetic3A_210 : vector<16xi32>
      %ge3A = vector.broadcast %mul3A_2 : i32 to vector<16xi32>
      %ge3A_212 = arith.cmpi sge, %shift_right_arithmetic3A_211, %ge3A : vector<16xi32>
      %lt3A = vector.broadcast %min3A_5 : i32 to vector<16xi32>
      %lt3A_213 = arith.cmpi slt, %shift_right_arithmetic3A_211, %lt3A : vector<16xi32>
      %and3A_214 = arith.andi %ge3A_212, %lt3A_213 : vector<16xi1>
      %swap3A = arith.index_cast %scan3A_206 : i32 to index
      %swap3A_215 = tpu.vector_load %arg7[%swap3A] masked %and3A_214 {strides = array<i32>} : memref<2064xi32, #tpu.memory_space<vmem>>, vector<16xi32>, vector<16xi1>
      tpu.vector_store %arg7[%swap3A], %get3A_209 masked %and3A_214 {strides = array<i32>} : memref<2064xi32, #tpu.memory_space<vmem>>, vector<16xi32>, vector<16xi1>
      %mul3A_216 = arith.constant 16 : i32
      %mul3A_217 = arith.muli %scan3A_205, %mul3A_216 : i32
      %add3A_218 = arith.constant 8192 : i32
      %add3A_219 = arith.addi %add3A_218, %mul3A_217 : i32
      %add3A_220 = vector.broadcast %add3A_219 : i32 to vector<16xi32>
      %add3A_221 = arith.addi %add3A_220, %iota3A : vector<16xi32>
      %swap3A_222 = arith.index_cast %scan3A_206 : i32 to index
      %swap3A_223 = tpu.vector_load %arg8[%swap3A_222] masked %and3A_214 {strides = array<i32>} : memref<2064xi32, #tpu.memory_space<vmem>>, vector<16xi32>, vector<16xi1>
      tpu.vector_store %arg8[%swap3A_222], %add3A_221 masked %and3A_214 {strides = array<i32>} : memref<2064xi32, #tpu.memory_space<vmem>>, vector<16xi32>, vector<16xi1>
      %all_reduce_population_count3A = tpu.all_reduce %and3A_214 {dim = 0 : i64, kind = #tpu.reduction_kind<sum>} : vector<16xi1> -> vector<16xi32>
      %slice3A = vector.extract_strided_slice %all_reduce_population_count3A {offsets = [0], sizes = [1], strides = [1]} : vector<16xi32> to vector<1xi32>
      %squeeze3A = vector.extract %slice3A[0] : i32 from vector<1xi32>
      %add3A_224 = arith.addi %scan3A_206, %squeeze3A : i32
      scf.yield %add3A_224 : i32
    }
    %scan3A_119 = arith.constant 128 : i32
    %dma_start3A_120 = arith.constant 12288 : i32
    %dma_start3A_121 = tpu.memref_slice %arg2[%dma_start3A_120] : memref<16384xi32, #tpu.memory_space<hbm>> -> memref<2048xi32, #tpu.memory_space<hbm>>
    %dma_start3A_122 = arith.constant 12288 : i32
    %dma_start3A_123 = tpu.memref_slice %arg2[%dma_start3A_122] : memref<16384xi32, #tpu.memory_space<hbm>> -> memref<2048xi32, #tpu.memory_space<hbm>>
    tpu.enqueue_dma source(%dma_start3A_123 : memref<2048xi32, #tpu.memory_space<hbm>>) target(%arg5 : memref<2048xi32, #tpu.memory_space<vmem>>) target_semaphore(%arg15 : memref<!tpu.dma_semaphore, #tpu.memory_space<semaphore_mem>>)
    %dma_wait3A_124 = arith.constant 0 : i32
    %dma_wait3A_125 = tpu.memref_slice %arg2[%dma_wait3A_124] : memref<16384xi32, #tpu.memory_space<hbm>> -> memref<2048xi32, #tpu.memory_space<hbm>>
    %dma_wait3A_126 = arith.constant 0 : i32
    %dma_wait3A_127 = tpu.memref_slice %arg2[%dma_wait3A_126] : memref<16384xi32, #tpu.memory_space<hbm>> -> memref<2048xi32, #tpu.memory_space<hbm>>
    tpu.wait_dma2 semaphore(%arg16 : memref<!tpu.dma_semaphore, #tpu.memory_space<semaphore_mem>>) src(%dma_wait3A_127 : memref<2048xi32, #tpu.memory_space<hbm>>) dst(%arg6 : memref<2048xi32, #tpu.memory_space<vmem>>)
    %scan3A_128 = arith.constant 0 : i32
    %scan3A_129 = arith.constant 128 : i32
    %scan3A_130 = arith.addi %scan3A_128, %scan3A_129 : i32
    %scan3A_131 = arith.constant 1 : i32
    %scan3A_132 = scf.for %scan3A_205 = %scan3A_128 to %scan3A_130 step %scan3A_131 iter_args(%scan3A_206 = %scan3A_118) -> (i32)  : i32 {
      %mul3A_207 = arith.constant 16 : i32
      %mul3A_208 = arith.muli %scan3A_205, %mul3A_207 : i32
      %get3A = arith.index_cast %mul3A_208 : i32 to index
      %get3A_209 = tpu.vector_load %arg6[%get3A] {strides = array<i32>} : memref<2048xi32, #tpu.memory_space<vmem>>, vector<16xi32>,
      %shift_right_arithmetic3A = arith.constant 7 : i32
      %shift_right_arithmetic3A_210 = vector.broadcast %shift_right_arithmetic3A : i32 to vector<16xi32>
      %shift_right_arithmetic3A_211 = arith.shrsi %get3A_209, %shift_right_arithmetic3A_210 : vector<16xi32>
      %ge3A = vector.broadcast %mul3A_2 : i32 to vector<16xi32>
      %ge3A_212 = arith.cmpi sge, %shift_right_arithmetic3A_211, %ge3A : vector<16xi32>
      %lt3A = vector.broadcast %min3A_5 : i32 to vector<16xi32>
      %lt3A_213 = arith.cmpi slt, %shift_right_arithmetic3A_211, %lt3A : vector<16xi32>
      %and3A_214 = arith.andi %ge3A_212, %lt3A_213 : vector<16xi1>
      %swap3A = arith.index_cast %scan3A_206 : i32 to index
      %swap3A_215 = tpu.vector_load %arg7[%swap3A] masked %and3A_214 {strides = array<i32>} : memref<2064xi32, #tpu.memory_space<vmem>>, vector<16xi32>, vector<16xi1>
      tpu.vector_store %arg7[%swap3A], %get3A_209 masked %and3A_214 {strides = array<i32>} : memref<2064xi32, #tpu.memory_space<vmem>>, vector<16xi32>, vector<16xi1>
      %mul3A_216 = arith.constant 16 : i32
      %mul3A_217 = arith.muli %scan3A_205, %mul3A_216 : i32
      %add3A_218 = arith.constant 10240 : i32
      %add3A_219 = arith.addi %add3A_218, %mul3A_217 : i32
      %add3A_220 = vector.broadcast %add3A_219 : i32 to vector<16xi32>
      %add3A_221 = arith.addi %add3A_220, %iota3A : vector<16xi32>
      %swap3A_222 = arith.index_cast %scan3A_206 : i32 to index
      %swap3A_223 = tpu.vector_load %arg8[%swap3A_222] masked %and3A_214 {strides = array<i32>} : memref<2064xi32, #tpu.memory_space<vmem>>, vector<16xi32>, vector<16xi1>
      tpu.vector_store %arg8[%swap3A_222], %add3A_221 masked %and3A_214 {strides = array<i32>} : memref<2064xi32, #tpu.memory_space<vmem>>, vector<16xi32>, vector<16xi1>
      %all_reduce_population_count3A = tpu.all_reduce %and3A_214 {dim = 0 : i64, kind = #tpu.reduction_kind<sum>} : vector<16xi1> -> vector<16xi32>
      %slice3A = vector.extract_strided_slice %all_reduce_population_count3A {offsets = [0], sizes = [1], strides = [1]} : vector<16xi32> to vector<1xi32>
      %squeeze3A = vector.extract %slice3A[0] : i32 from vector<1xi32>
      %add3A_224 = arith.addi %scan3A_206, %squeeze3A : i32
      scf.yield %add3A_224 : i32
    }
    %scan3A_133 = arith.constant 128 : i32
    %dma_start3A_134 = arith.constant 14336 : i32
    %dma_start3A_135 = tpu.memref_slice %arg2[%dma_start3A_134] : memref<16384xi32, #tpu.memory_space<hbm>> -> memref<2048xi32, #tpu.memory_space<hbm>>
    %dma_start3A_136 = arith.constant 14336 : i32
    %dma_start3A_137 = tpu.memref_slice %arg2[%dma_start3A_136] : memref<16384xi32, #tpu.memory_space<hbm>> -> memref<2048xi32, #tpu.memory_space<hbm>>
    tpu.enqueue_dma source(%dma_start3A_137 : memref<2048xi32, #tpu.memory_space<hbm>>) target(%arg6 : memref<2048xi32, #tpu.memory_space<vmem>>) target_semaphore(%arg16 : memref<!tpu.dma_semaphore, #tpu.memory_space<semaphore_mem>>)
    %dma_wait3A_138 = arith.constant 0 : i32
    %dma_wait3A_139 = tpu.memref_slice %arg2[%dma_wait3A_138] : memref<16384xi32, #tpu.memory_space<hbm>> -> memref<2048xi32, #tpu.memory_space<hbm>>
    %dma_wait3A_140 = arith.constant 0 : i32
    %dma_wait3A_141 = tpu.memref_slice %arg2[%dma_wait3A_140] : memref<16384xi32, #tpu.memory_space<hbm>> -> memref<2048xi32, #tpu.memory_space<hbm>>
    tpu.wait_dma2 semaphore(%arg15 : memref<!tpu.dma_semaphore, #tpu.memory_space<semaphore_mem>>) src(%dma_wait3A_141 : memref<2048xi32, #tpu.memory_space<hbm>>) dst(%arg5 : memref<2048xi32, #tpu.memory_space<vmem>>)
    %scan3A_142 = arith.constant 0 : i32
    %scan3A_143 = arith.constant 128 : i32
    %scan3A_144 = arith.addi %scan3A_142, %scan3A_143 : i32
    %scan3A_145 = arith.constant 1 : i32
    %scan3A_146 = scf.for %scan3A_205 = %scan3A_142 to %scan3A_144 step %scan3A_145 iter_args(%scan3A_206 = %scan3A_132) -> (i32)  : i32 {
      %mul3A_207 = arith.constant 16 : i32
      %mul3A_208 = arith.muli %scan3A_205, %mul3A_207 : i32
      %get3A = arith.index_cast %mul3A_208 : i32 to index
      %get3A_209 = tpu.vector_load %arg5[%get3A] {strides = array<i32>} : memref<2048xi32, #tpu.memory_space<vmem>>, vector<16xi32>,
      %shift_right_arithmetic3A = arith.constant 7 : i32
      %shift_right_arithmetic3A_210 = vector.broadcast %shift_right_arithmetic3A : i32 to vector<16xi32>
      %shift_right_arithmetic3A_211 = arith.shrsi %get3A_209, %shift_right_arithmetic3A_210 : vector<16xi32>
      %ge3A = vector.broadcast %mul3A_2 : i32 to vector<16xi32>
      %ge3A_212 = arith.cmpi sge, %shift_right_arithmetic3A_211, %ge3A : vector<16xi32>
      %lt3A = vector.broadcast %min3A_5 : i32 to vector<16xi32>
      %lt3A_213 = arith.cmpi slt, %shift_right_arithmetic3A_211, %lt3A : vector<16xi32>
      %and3A_214 = arith.andi %ge3A_212, %lt3A_213 : vector<16xi1>
      %swap3A = arith.index_cast %scan3A_206 : i32 to index
      %swap3A_215 = tpu.vector_load %arg7[%swap3A] masked %and3A_214 {strides = array<i32>} : memref<2064xi32, #tpu.memory_space<vmem>>, vector<16xi32>, vector<16xi1>
      tpu.vector_store %arg7[%swap3A], %get3A_209 masked %and3A_214 {strides = array<i32>} : memref<2064xi32, #tpu.memory_space<vmem>>, vector<16xi32>, vector<16xi1>
      %mul3A_216 = arith.constant 16 : i32
      %mul3A_217 = arith.muli %scan3A_205, %mul3A_216 : i32
      %add3A_218 = arith.constant 12288 : i32
      %add3A_219 = arith.addi %add3A_218, %mul3A_217 : i32
      %add3A_220 = vector.broadcast %add3A_219 : i32 to vector<16xi32>
      %add3A_221 = arith.addi %add3A_220, %iota3A : vector<16xi32>
      %swap3A_222 = arith.index_cast %scan3A_206 : i32 to index
      %swap3A_223 = tpu.vector_load %arg8[%swap3A_222] masked %and3A_214 {strides = array<i32>} : memref<2064xi32, #tpu.memory_space<vmem>>, vector<16xi32>, vector<16xi1>
      tpu.vector_store %arg8[%swap3A_222], %add3A_221 masked %and3A_214 {strides = array<i32>} : memref<2064xi32, #tpu.memory_space<vmem>>, vector<16xi32>, vector<16xi1>
      %all_reduce_population_count3A = tpu.all_reduce %and3A_214 {dim = 0 : i64, kind = #tpu.reduction_kind<sum>} : vector<16xi1> -> vector<16xi32>
      %slice3A = vector.extract_strided_slice %all_reduce_population_count3A {offsets = [0], sizes = [1], strides = [1]} : vector<16xi32> to vector<1xi32>
      %squeeze3A = vector.extract %slice3A[0] : i32 from vector<1xi32>
      %add3A_224 = arith.addi %scan3A_206, %squeeze3A : i32
      scf.yield %add3A_224 : i32
    }
    %scan3A_147 = arith.constant 128 : i32
    %dma_wait3A_148 = arith.constant 0 : i32
    %dma_wait3A_149 = tpu.memref_slice %arg2[%dma_wait3A_148] : memref<16384xi32, #tpu.memory_space<hbm>> -> memref<2048xi32, #tpu.memory_space<hbm>>
    %dma_wait3A_150 = arith.constant 0 : i32
    %dma_wait3A_151 = tpu.memref_slice %arg2[%dma_wait3A_150] : memref<16384xi32, #tpu.memory_space<hbm>> -> memref<2048xi32, #tpu.memory_space<hbm>>
    tpu.wait_dma2 semaphore(%arg16 : memref<!tpu.dma_semaphore, #tpu.memory_space<semaphore_mem>>) src(%dma_wait3A_151 : memref<2048xi32, #tpu.memory_space<hbm>>) dst(%arg6 : memref<2048xi32, #tpu.memory_space<vmem>>)
    %scan3A_152 = arith.constant 0 : i32
    %scan3A_153 = arith.constant 128 : i32
    %scan3A_154 = arith.addi %scan3A_152, %scan3A_153 : i32
    %scan3A_155 = arith.constant 1 : i32
    %scan3A_156 = scf.for %scan3A_205 = %scan3A_152 to %scan3A_154 step %scan3A_155 iter_args(%scan3A_206 = %scan3A_146) -> (i32)  : i32 {
      %mul3A_207 = arith.constant 16 : i32
      %mul3A_208 = arith.muli %scan3A_205, %mul3A_207 : i32
      %get3A = arith.index_cast %mul3A_208 : i32 to index
      %get3A_209 = tpu.vector_load %arg6[%get3A] {strides = array<i32>} : memref<2048xi32, #tpu.memory_space<vmem>>, vector<16xi32>,
      %shift_right_arithmetic3A = arith.constant 7 : i32
      %shift_right_arithmetic3A_210 = vector.broadcast %shift_right_arithmetic3A : i32 to vector<16xi32>
      %shift_right_arithmetic3A_211 = arith.shrsi %get3A_209, %shift_right_arithmetic3A_210 : vector<16xi32>
      %ge3A = vector.broadcast %mul3A_2 : i32 to vector<16xi32>
      %ge3A_212 = arith.cmpi sge, %shift_right_arithmetic3A_211, %ge3A : vector<16xi32>
      %lt3A = vector.broadcast %min3A_5 : i32 to vector<16xi32>
      %lt3A_213 = arith.cmpi slt, %shift_right_arithmetic3A_211, %lt3A : vector<16xi32>
      %and3A_214 = arith.andi %ge3A_212, %lt3A_213 : vector<16xi1>
      %swap3A = arith.index_cast %scan3A_206 : i32 to index
      %swap3A_215 = tpu.vector_load %arg7[%swap3A] masked %and3A_214 {strides = array<i32>} : memref<2064xi32, #tpu.memory_space<vmem>>, vector<16xi32>, vector<16xi1>
      tpu.vector_store %arg7[%swap3A], %get3A_209 masked %and3A_214 {strides = array<i32>} : memref<2064xi32, #tpu.memory_space<vmem>>, vector<16xi32>, vector<16xi1>
      %mul3A_216 = arith.constant 16 : i32
      %mul3A_217 = arith.muli %scan3A_205, %mul3A_216 : i32
      %add3A_218 = arith.constant 14336 : i32
      %add3A_219 = arith.addi %add3A_218, %mul3A_217 : i32
      %add3A_220 = vector.broadcast %add3A_219 : i32 to vector<16xi32>
      %add3A_221 = arith.addi %add3A_220, %iota3A : vector<16xi32>
      %swap3A_222 = arith.index_cast %scan3A_206 : i32 to index
      %swap3A_223 = tpu.vector_load %arg8[%swap3A_222] masked %and3A_214 {strides = array<i32>} : memref<2064xi32, #tpu.memory_space<vmem>>, vector<16xi32>, vector<16xi1>
      tpu.vector_store %arg8[%swap3A_222], %add3A_221 masked %and3A_214 {strides = array<i32>} : memref<2064xi32, #tpu.memory_space<vmem>>, vector<16xi32>, vector<16xi1>
      %all_reduce_population_count3A = tpu.all_reduce %and3A_214 {dim = 0 : i64, kind = #tpu.reduction_kind<sum>} : vector<16xi1> -> vector<16xi32>
      %slice3A = vector.extract_strided_slice %all_reduce_population_count3A {offsets = [0], sizes = [1], strides = [1]} : vector<16xi32> to vector<1xi32>
      %squeeze3A = vector.extract %slice3A[0] : i32 from vector<1xi32>
      %add3A_224 = arith.addi %scan3A_206, %squeeze3A : i32
      scf.yield %add3A_224 : i32
    }
    %scan3A_157 = arith.constant 128 : i32
    %add3A_158 = arith.constant 1 : i32
    %add3A_159 = arith.addi %select_n3A, %add3A_158 : i32
    %jit3A_160 = arith.constant 2 : i32
    %div3A_161 = arith.divsi %add3A_159, %jit3A_160 : i32
    %sign3A_162 = arith.constant 0 : i32
    %sign3A_163 = arith.cmpi sgt, %add3A_159, %sign3A_162 : i32
    %sign3A_164 = arith.extui %sign3A_163 : i1 to i32
    %sign3A_165 = arith.constant 0 : i32
    %sign3A_166 = arith.cmpi slt, %add3A_159, %sign3A_165 : i32
    %sign3A_167 = arith.extui %sign3A_166 : i1 to i32
    %sign3A_168 = arith.subi %sign3A_164, %sign3A_167 : i32
    %sign3A_169 = arith.constant 0 : i32
    %sign3A_170 = arith.cmpi sgt, %jit3A_160, %sign3A_169 : i32
    %sign3A_171 = arith.extui %sign3A_170 : i1 to i32
    %sign3A_172 = arith.constant 0 : i32
    %sign3A_173 = arith.cmpi slt, %jit3A_160, %sign3A_172 : i32
    %sign3A_174 = arith.extui %sign3A_173 : i1 to i32
    %sign3A_175 = arith.subi %sign3A_171, %sign3A_174 : i32
    %ne3A_176 = arith.cmpi ne, %sign3A_168, %sign3A_175 : i32
    %rem3A_177 = arith.remsi %add3A_159, %jit3A_160 : i32
    %ne3A_178 = arith.constant 0 : i32
    %ne3A_179 = arith.cmpi ne, %rem3A_177, %ne3A_178 : i32
    %and3A_180 = arith.andi %ne3A_176, %ne3A_179 : i1
    %sub3A_181 = arith.constant 1 : i32
    %sub3A_182 = arith.subi %div3A_161, %sub3A_181 : i32
    %select_n3A_183 = arith.select %and3A_180, %sub3A_182, %div3A_161 : i32
    %while3A = arith.constant 0 : i32
    %while3A_184 = arith.constant 0 : i32
    %while3A_185 = arith.subi %select_n3A_183, %while3A : i32
    %while3A_186 = arith.addi %while3A, %while3A_185 : i32
    %while3A_187 = arith.constant 1 : i32
    %while3A_188 = arith.divsi %while3A_185, %while3A_187 : i32
    %while3A_189 = arith.muli %while3A_188, %while3A_187 : i32
    %while3A_190 = arith.addi %while3A, %while3A_189 : i32
    %while3A_191 = arith.constant 1 : i32
    %while3A_192 = scf.for %while3A_205 = %while3A to %while3A_190 step %while3A_191 iter_args(%while3A_206 = %while3A_184) -> (i32)  : i32 {
      %mul3A_207 = arith.constant 2 : i32
      %mul3A_208 = arith.muli %mul3A_207, %while3A_205 : i32
      %add3A_209 = arith.constant 1 : i32
      %add3A_210 = arith.addi %mul3A_208, %add3A_209 : i32
      %dma_wait3A_211 = arith.constant 0 : i32
      %dma_wait3A_212 = arith.constant 0 : i32
      %dma_wait3A_213 = tpu.memref_slice %arg3[%dma_wait3A_211, %dma_wait3A_212] : memref<64x1000000xf32, #tpu.memory_space<hbm>> -> memref<64x896xf32, #tpu.memory_space<hbm>>
      %dma_wait3A_214 = arith.constant 0 : i32
      %dma_wait3A_215 = arith.constant 0 : i32
      %dma_wait3A_216 = tpu.memref_slice %arg3[%dma_wait3A_214, %dma_wait3A_215] : memref<64x1000000xf32, #tpu.memory_space<hbm>> -> memref<64x896xf32, #tpu.memory_space<hbm>>
      tpu.wait_dma2 semaphore(%arg12 : memref<!tpu.dma_semaphore, #tpu.memory_space<semaphore_mem>>) src(%dma_wait3A_216 : memref<64x896xf32, #tpu.memory_space<hbm>>) dst(%arg9 : memref<64x896xf32, #tpu.memory_space<vmem>>)
      %mul3A_217 = arith.constant 7 : i32
      %mul3A_218 = arith.muli %mul3A_217, %mul3A_208 : i32
      %add3A_219 = arith.addi %mul3A_2, %mul3A_218 : i32
      %min3A_220 = arith.constant 7806 : i32
      %min3A_221 = arith.minsi %add3A_219, %min3A_220 : i32
      %mul3A_222 = arith.constant 7 : i32
      %mul3A_223 = arith.muli %mul3A_222, %mul3A_208 : i32
      %add3A_224 = arith.addi %mul3A_2, %mul3A_223 : i32
      %add3A_225 = arith.constant 7 : i32
      %add3A_226 = arith.addi %add3A_224, %add3A_225 : i32
      %min3A_227 = arith.minsi %add3A_226, %min3A_5 : i32
      %add3A_228 = arith.constant 15 : i32
      %add3A_229 = arith.addi %scan3A_156, %add3A_228 : i32
      %jit3A_230 = arith.constant 16 : i32
      %div3A_231 = arith.divsi %add3A_229, %jit3A_230 : i32
      %sign3A_232 = arith.constant 0 : i32
      %sign3A_233 = arith.cmpi sgt, %add3A_229, %sign3A_232 : i32
      %sign3A_234 = arith.extui %sign3A_233 : i1 to i32
      %sign3A_235 = arith.constant 0 : i32
      %sign3A_236 = arith.cmpi slt, %add3A_229, %sign3A_235 : i32
      %sign3A_237 = arith.extui %sign3A_236 : i1 to i32
      %sign3A_238 = arith.subi %sign3A_234, %sign3A_237 : i32
      %sign3A_239 = arith.constant 0 : i32
      %sign3A_240 = arith.cmpi sgt, %jit3A_230, %sign3A_239 : i32
      %sign3A_241 = arith.extui %sign3A_240 : i1 to i32
      %sign3A_242 = arith.constant 0 : i32
      %sign3A_243 = arith.cmpi slt, %jit3A_230, %sign3A_242 : i32
      %sign3A_244 = arith.extui %sign3A_243 : i1 to i32
      %sign3A_245 = arith.subi %sign3A_241, %sign3A_244 : i32
      %ne3A_246 = arith.cmpi ne, %sign3A_238, %sign3A_245 : i32
      %rem3A_247 = arith.remsi %add3A_229, %jit3A_230 : i32
      %ne3A_248 = arith.constant 0 : i32
      %ne3A_249 = arith.cmpi ne, %rem3A_247, %ne3A_248 : i32
      %and3A_250 = arith.andi %ne3A_246, %ne3A_249 : i1
      %sub3A_251 = arith.constant 1 : i32
      %sub3A_252 = arith.subi %div3A_231, %sub3A_251 : i32
      %select_n3A_253 = arith.select %and3A_250, %sub3A_252, %div3A_231 : i32
      %while3A_254 = arith.constant 0 : i32
      %while3A_255 = arith.subi %select_n3A_253, %while3A_254 : i32
      %while3A_256 = arith.addi %while3A_254, %while3A_255 : i32
      %while3A_257 = arith.constant 1 : i32
      %while3A_258 = arith.divsi %while3A_255, %while3A_257 : i32
      %while3A_259 = arith.muli %while3A_258, %while3A_257 : i32
      %while3A_260 = arith.addi %while3A_254, %while3A_259 : i32
      %while3A_261 = arith.constant 1 : i32
      %while3A_262 = scf.for %while3A_273 = %while3A_254 to %while3A_260 step %while3A_261 iter_args(%while3A_274 = %while3A_206) -> (i32)  : i32 {
        %mul3A_275 = arith.constant 16 : i32
        %mul3A_276 = arith.muli %while3A_273, %mul3A_275 : i32
        %get3A = arith.index_cast %mul3A_276 : i32 to index
        %get3A_277 = tpu.vector_load %arg7[%get3A] {strides = array<i32>} : memref<2064xi32, #tpu.memory_space<vmem>>, vector<16xi32>,
        %shift_right_arithmetic3A = arith.constant 7 : i32
        %shift_right_arithmetic3A_278 = vector.broadcast %shift_right_arithmetic3A : i32 to vector<16xi32>
        %shift_right_arithmetic3A_279 = arith.shrsi %get3A_277, %shift_right_arithmetic3A_278 : vector<16xi32>
        %mul3A_280 = arith.constant 16 : i32
        %mul3A_281 = arith.muli %while3A_273, %mul3A_280 : i32
        %add3A_282 = vector.broadcast %mul3A_281 : i32 to vector<16xi32>
        %add3A_283 = arith.addi %add3A_282, %iota3A : vector<16xi32>
        %lt3A_284 = vector.broadcast %scan3A_156 : i32 to vector<16xi32>
        %lt3A_285 = arith.cmpi slt, %add3A_283, %lt3A_284 : vector<16xi32>
        %ge3A = vector.broadcast %add3A_224 : i32 to vector<16xi32>
        %ge3A_286 = arith.cmpi sge, %shift_right_arithmetic3A_279, %ge3A : vector<16xi32>
        %and3A_287 = arith.andi %lt3A_285, %ge3A_286 : vector<16xi1>
        %lt3A_288 = vector.broadcast %min3A_227 : i32 to vector<16xi32>
        %lt3A_289 = arith.cmpi slt, %shift_right_arithmetic3A_279, %lt3A_288 : vector<16xi32>
        %and3A_290 = arith.andi %and3A_287, %lt3A_289 : vector<16xi1>
        %while3A_291:2 = scf.while (%while3A_292 = %and3A_290, %while3A_293 = %while3A_274) : (vector<16xi1>, i32) -> (vector<16xi1>, i32) {
          %reduce_or3A = arith.constant 1.000000e+00 : f32
          %reduce_or3A_294 = arith.constant 0.000000e+00 : f32
          %reduce_or3A_295 = vector.broadcast %reduce_or3A : f32 to vector<16xf32>
          %reduce_or3A_296 = vector.broadcast %reduce_or3A_294 : f32 to vector<16xf32>
          %reduce_or3A_297 = arith.select %while3A_292, %reduce_or3A_295, %reduce_or3A_296 : vector<16xi1>, vector<16xf32>
          %reduce_or3A_298 = arith.constant true
          %reduce_or3A_299 = vector.broadcast %reduce_or3A_298 : i1 to vector<16xi1>
          %reduce_or3A_300 = tpu.scan <max>, %reduce_or3A_297 masked %reduce_or3A_299 : vector<16xf32>, vector<16xi1> -> vector<16xf32>
          %reduce_or3A_301 = vector.extract %reduce_or3A_300[15] : f32 from vector<16xf32>
          %reduce_or3A_302 = arith.constant 0.000000e+00 : f32
          %reduce_or3A_303 = arith.cmpf ogt, %reduce_or3A_301, %reduce_or3A_302 : f32
          scf.condition(%reduce_or3A_303) %while3A_292, %while3A_293 : vector<16xi1>, i32
        } do {
        ^bb0(%while3A_292: vector<16xi1>, %while3A_293: i32):
          %all_reduce_ffs3A = tpu.all_reduce %while3A_292 {dim = 0 : i64, kind = #tpu.reduction_kind<find_first_set>} : vector<16xi1> -> vector<16xi32>
          %slice3A = vector.extract_strided_slice %all_reduce_ffs3A {offsets = [0], sizes = [1], strides = [1]} : vector<16xi32> to vector<1xi32>
          %squeeze3A = vector.extract %slice3A[0] : i32 from vector<1xi32>
          %mul3A_294 = arith.constant 16 : i32
          %mul3A_295 = arith.muli %while3A_273, %mul3A_294 : i32
          %add3A_296 = arith.addi %mul3A_295, %squeeze3A : i32
          %broadcast_in_dim3A = vector.broadcast %add3A_296 : i32 to vector<16xi32>
          %gather3A = tpu.vector_load_idx %arg7[%broadcast_in_dim3A] : memref<2064xi32, #tpu.memory_space<vmem>>[vector<16xi32>], vector<16xi32>,
          %slice3A_297 = vector.extract_strided_slice %gather3A {offsets = [0], sizes = [1], strides = [1]} : vector<16xi32> to vector<1xi32>
          %squeeze3A_298 = vector.extract %slice3A_297[0] : i32 from vector<1xi32>
          %gather3A_299 = tpu.vector_load_idx %arg8[%broadcast_in_dim3A] : memref<2064xi32, #tpu.memory_space<vmem>>[vector<16xi32>], vector<16xi32>,
          %slice3A_300 = vector.extract_strided_slice %gather3A_299 {offsets = [0], sizes = [1], strides = [1]} : vector<16xi32> to vector<1xi32>
          %squeeze3A_301 = vector.extract %slice3A_300[0] : i32 from vector<1xi32>
          %mul3A_302 = arith.constant 128 : i32
          %mul3A_303 = arith.muli %min3A_221, %mul3A_302 : i32
          %sub3A_304 = arith.subi %squeeze3A_298, %mul3A_303 : i32
          %broadcast_in_dim3A_305 = vector.broadcast %sub3A_304 : i32 to vector<16xi32>
          %ge3A_306 = arith.constant 32 : i32
          %ge3A_307 = arith.cmpi sge, %while3A_293, %ge3A_306 : i32
          %convert_element_type3A_308 = arith.extui %ge3A_307 : i1 to i32
          %cond3A_309 = arith.constant 0 : i32
          %cond3A_310 = arith.cmpi ne, %convert_element_type3A_308, %cond3A_309 : i32
          %cond3A_311 = scf.if %cond3A_310 -> (i32) {
            %dma_wait3A_358 = arith.constant 0 : i32
            %dma_wait3A_359 = tpu.memref_slice %arg11[%dma_wait3A_358] : memref<4096xf32, #tpu.memory_space<vmem>> -> memref<2048xf32, #tpu.memory_space<vmem>>
            %dma_wait3A_360 = arith.constant 0 : i32
            %dma_wait3A_361 = tpu.memref_slice %arg4[%dma_wait3A_360] : memref<1048576xf32, #tpu.memory_space<hbm>> -> memref<2048xf32, #tpu.memory_space<hbm>>
            %dma_wait3A_362 = arith.constant 0 : i32
            %dma_wait3A_363 = tpu.memref_slice %arg11[%dma_wait3A_362] : memref<4096xf32, #tpu.memory_space<vmem>> -> memref<2048xf32, #tpu.memory_space<vmem>>
            %dma_wait3A_364 = arith.constant 0 : i32
            %dma_wait3A_365 = tpu.memref_slice %arg4[%dma_wait3A_364] : memref<1048576xf32, #tpu.memory_space<hbm>> -> memref<2048xf32, #tpu.memory_space<hbm>>
            tpu.wait_dma2 semaphore(%arg14 : memref<!tpu.dma_semaphore, #tpu.memory_space<semaphore_mem>>) src(%dma_wait3A_365 : memref<2048xf32, #tpu.memory_space<hbm>>) dst(%dma_wait3A_363 : memref<2048xf32, #tpu.memory_space<vmem>>)
            %cond3A_366 = arith.constant 0 : i32
            scf.yield %cond3A_366 : i32
          } else {
            scf.yield %while3A_293 : i32
          }
          %mul3A_312 = arith.constant 128 : i32
          %mul3A_313 = arith.muli %cond3A_311, %mul3A_312 : i32
          %multiple_of3A_314 = tpu.assume_multiple %mul3A_313, 8 : i32
          %add3A_315 = arith.constant 0 : i32
          %add3A_316 = vector.broadcast %add3A_315 : i32 to vector<16xi32>
          %add3A_317 = arith.addi %add3A_316, %iota3A : vector<16xi32>
          %gather3A_318 = tpu.vector_load_idx %arg9[%add3A_317, %broadcast_in_dim3A_305] : memref<64x896xf32, #tpu.memory_space<vmem>>[vector<16xi32>, vector<16xi32>], vector<16xf32>,
          %add3A_319 = arith.constant 0 : i32
          %add3A_320 = arith.addi %multiple_of3A_314, %add3A_319 : i32
          %swap3A = arith.index_cast %add3A_320 : i32 to index
          %swap3A_321 = tpu.vector_load %arg11[%swap3A] {strides = array<i32>} : memref<4096xf32, #tpu.memory_space<vmem>>, vector<16xf32>,
          tpu.vector_store %arg11[%swap3A], %gather3A_318 {strides = array<i32>} : memref<4096xf32, #tpu.memory_space<vmem>>, vector<16xf32>,
          %add3A_322 = arith.constant 16 : i32
          %add3A_323 = vector.broadcast %add3A_322 : i32 to vector<16xi32>
          %add3A_324 = arith.addi %add3A_323, %iota3A : vector<16xi32>
          %gather3A_325 = tpu.vector_load_idx %arg9[%add3A_324, %broadcast_in_dim3A_305] : memref<64x896xf32, #tpu.memory_space<vmem>>[vector<16xi32>, vector<16xi32>], vector<16xf32>,
          %add3A_326 = arith.constant 16 : i32
          %add3A_327 = arith.addi %multiple_of3A_314, %add3A_326 : i32
          %swap3A_328 = arith.index_cast %add3A_327 : i32 to index
          %swap3A_329 = tpu.vector_load %arg11[%swap3A_328] {strides = array<i32>} : memref<4096xf32, #tpu.memory_space<vmem>>, vector<16xf32>,
          tpu.vector_store %arg11[%swap3A_328], %gather3A_325 {strides = array<i32>} : memref<4096xf32, #tpu.memory_space<vmem>>, vector<16xf32>,
          %add3A_330 = arith.constant 32 : i32
          %add3A_331 = vector.broadcast %add3A_330 : i32 to vector<16xi32>
          %add3A_332 = arith.addi %add3A_331, %iota3A : vector<16xi32>
          %gather3A_333 = tpu.vector_load_idx %arg9[%add3A_332, %broadcast_in_dim3A_305] : memref<64x896xf32, #tpu.memory_space<vmem>>[vector<16xi32>, vector<16xi32>], vector<16xf32>,
          %add3A_334 = arith.constant 32 : i32
          %add3A_335 = arith.addi %multiple_of3A_314, %add3A_334 : i32
          %swap3A_336 = arith.index_cast %add3A_335 : i32 to index
          %swap3A_337 = tpu.vector_load %arg11[%swap3A_336] {strides = array<i32>} : memref<4096xf32, #tpu.memory_space<vmem>>, vector<16xf32>,
          tpu.vector_store %arg11[%swap3A_336], %gather3A_333 {strides = array<i32>} : memref<4096xf32, #tpu.memory_space<vmem>>, vector<16xf32>,
          %add3A_338 = arith.constant 48 : i32
          %add3A_339 = vector.broadcast %add3A_338 : i32 to vector<16xi32>
          %add3A_340 = arith.addi %add3A_339, %iota3A : vector<16xi32>
          %gather3A_341 = tpu.vector_load_idx %arg9[%add3A_340, %broadcast_in_dim3A_305] : memref<64x896xf32, #tpu.memory_space<vmem>>[vector<16xi32>, vector<16xi32>], vector<16xf32>,
          %add3A_342 = arith.constant 48 : i32
          %add3A_343 = arith.addi %multiple_of3A_314, %add3A_342 : i32
          %swap3A_344 = arith.index_cast %add3A_343 : i32 to index
          %swap3A_345 = tpu.vector_load %arg11[%swap3A_344] {strides = array<i32>} : memref<4096xf32, #tpu.memory_space<vmem>>, vector<16xf32>,
          tpu.vector_store %arg11[%swap3A_344], %gather3A_341 {strides = array<i32>} : memref<4096xf32, #tpu.memory_space<vmem>>, vector<16xf32>,
          %mul3A_346 = arith.constant 64 : i32
          %mul3A_347 = arith.muli %squeeze3A_301, %mul3A_346 : i32
          %multiple_of3A_348 = tpu.assume_multiple %mul3A_347, 8 : i32
          %dma_start3A_349 = tpu.memref_slice %arg11[%multiple_of3A_314] : memref<4096xf32, #tpu.memory_space<vmem>> -> memref<64xf32, #tpu.memory_space<vmem>>
          %dma_start3A_350 = tpu.memref_slice %arg4[%multiple_of3A_348] : memref<1048576xf32, #tpu.memory_space<hbm>> -> memref<64xf32, #tpu.memory_space<hbm>>
          %dma_start3A_351 = tpu.memref_slice %arg4[%multiple_of3A_348] : memref<1048576xf32, #tpu.memory_space<hbm>> -> memref<64xf32, #tpu.memory_space<hbm>>
          %dma_start3A_352 = tpu.memref_slice %arg11[%multiple_of3A_314] : memref<4096xf32, #tpu.memory_space<vmem>> -> memref<64xf32, #tpu.memory_space<vmem>>
          tpu.enqueue_dma source(%dma_start3A_352 : memref<64xf32, #tpu.memory_space<vmem>>) target(%dma_start3A_351 : memref<64xf32, #tpu.memory_space<hbm>>) target_semaphore(%arg14 : memref<!tpu.dma_semaphore, #tpu.memory_space<semaphore_mem>>)
          %ne3A_353 = vector.broadcast %squeeze3A : i32 to vector<16xi32>
          %ne3A_354 = arith.cmpi ne, %iota3A, %ne3A_353 : vector<16xi32>
          %and3A_355 = arith.andi %while3A_292, %ne3A_354 : vector<16xi1>
          %add3A_356 = arith.constant 1 : i32
          %add3A_357 = arith.addi %cond3A_311, %add3A_356 : i32
          scf.yield %and3A_355, %add3A_357 : vector<16xi1>, i32
        }
        scf.yield %while3A_291#1 : i32
      }
      %while3A_263 = arith.constant 1 : i32
      %while3A_264 = scf.for %while3A_273 = %while3A_260 to %while3A_256 step %while3A_263 iter_args(%while3A_274 = %while3A_262) -> (i32)  : i32 {
        %mul3A_275 = arith.constant 16 : i32
        %mul3A_276 = arith.muli %while3A_273, %mul3A_275 : i32
        %get3A = arith.index_cast %mul3A_276 : i32 to index
        %get3A_277 = tpu.vector_load %arg7[%get3A] {strides = array<i32>} : memref<2064xi32, #tpu.memory_space<vmem>>, vector<16xi32>,
        %shift_right_arithmetic3A = arith.constant 7 : i32
        %shift_right_arithmetic3A_278 = vector.broadcast %shift_right_arithmetic3A : i32 to vector<16xi32>
        %shift_right_arithmetic3A_279 = arith.shrsi %get3A_277, %shift_right_arithmetic3A_278 : vector<16xi32>
        %mul3A_280 = arith.constant 16 : i32
        %mul3A_281 = arith.muli %while3A_273, %mul3A_280 : i32
        %add3A_282 = vector.broadcast %mul3A_281 : i32 to vector<16xi32>
        %add3A_283 = arith.addi %add3A_282, %iota3A : vector<16xi32>
        %lt3A_284 = vector.broadcast %scan3A_156 : i32 to vector<16xi32>
        %lt3A_285 = arith.cmpi slt, %add3A_283, %lt3A_284 : vector<16xi32>
        %ge3A = vector.broadcast %add3A_224 : i32 to vector<16xi32>
        %ge3A_286 = arith.cmpi sge, %shift_right_arithmetic3A_279, %ge3A : vector<16xi32>
        %and3A_287 = arith.andi %lt3A_285, %ge3A_286 : vector<16xi1>
        %lt3A_288 = vector.broadcast %min3A_227 : i32 to vector<16xi32>
        %lt3A_289 = arith.cmpi slt, %shift_right_arithmetic3A_279, %lt3A_288 : vector<16xi32>
        %and3A_290 = arith.andi %and3A_287, %lt3A_289 : vector<16xi1>
        %while3A_291:2 = scf.while (%while3A_292 = %and3A_290, %while3A_293 = %while3A_274) : (vector<16xi1>, i32) -> (vector<16xi1>, i32) {
          %reduce_or3A = arith.constant 1.000000e+00 : f32
          %reduce_or3A_294 = arith.constant 0.000000e+00 : f32
          %reduce_or3A_295 = vector.broadcast %reduce_or3A : f32 to vector<16xf32>
          %reduce_or3A_296 = vector.broadcast %reduce_or3A_294 : f32 to vector<16xf32>
          %reduce_or3A_297 = arith.select %while3A_292, %reduce_or3A_295, %reduce_or3A_296 : vector<16xi1>, vector<16xf32>
          %reduce_or3A_298 = arith.constant true
          %reduce_or3A_299 = vector.broadcast %reduce_or3A_298 : i1 to vector<16xi1>
          %reduce_or3A_300 = tpu.scan <max>, %reduce_or3A_297 masked %reduce_or3A_299 : vector<16xf32>, vector<16xi1> -> vector<16xf32>
          %reduce_or3A_301 = vector.extract %reduce_or3A_300[15] : f32 from vector<16xf32>
          %reduce_or3A_302 = arith.constant 0.000000e+00 : f32
          %reduce_or3A_303 = arith.cmpf ogt, %reduce_or3A_301, %reduce_or3A_302 : f32
          scf.condition(%reduce_or3A_303) %while3A_292, %while3A_293 : vector<16xi1>, i32
        } do {
        ^bb0(%while3A_292: vector<16xi1>, %while3A_293: i32):
          %all_reduce_ffs3A = tpu.all_reduce %while3A_292 {dim = 0 : i64, kind = #tpu.reduction_kind<find_first_set>} : vector<16xi1> -> vector<16xi32>
          %slice3A = vector.extract_strided_slice %all_reduce_ffs3A {offsets = [0], sizes = [1], strides = [1]} : vector<16xi32> to vector<1xi32>
          %squeeze3A = vector.extract %slice3A[0] : i32 from vector<1xi32>
          %mul3A_294 = arith.constant 16 : i32
          %mul3A_295 = arith.muli %while3A_273, %mul3A_294 : i32
          %add3A_296 = arith.addi %mul3A_295, %squeeze3A : i32
          %broadcast_in_dim3A = vector.broadcast %add3A_296 : i32 to vector<16xi32>
          %gather3A = tpu.vector_load_idx %arg7[%broadcast_in_dim3A] : memref<2064xi32, #tpu.memory_space<vmem>>[vector<16xi32>], vector<16xi32>,
          %slice3A_297 = vector.extract_strided_slice %gather3A {offsets = [0], sizes = [1], strides = [1]} : vector<16xi32> to vector<1xi32>
          %squeeze3A_298 = vector.extract %slice3A_297[0] : i32 from vector<1xi32>
          %gather3A_299 = tpu.vector_load_idx %arg8[%broadcast_in_dim3A] : memref<2064xi32, #tpu.memory_space<vmem>>[vector<16xi32>], vector<16xi32>,
          %slice3A_300 = vector.extract_strided_slice %gather3A_299 {offsets = [0], sizes = [1], strides = [1]} : vector<16xi32> to vector<1xi32>
          %squeeze3A_301 = vector.extract %slice3A_300[0] : i32 from vector<1xi32>
          %mul3A_302 = arith.constant 128 : i32
          %mul3A_303 = arith.muli %min3A_221, %mul3A_302 : i32
          %sub3A_304 = arith.subi %squeeze3A_298, %mul3A_303 : i32
          %broadcast_in_dim3A_305 = vector.broadcast %sub3A_304 : i32 to vector<16xi32>
          %ge3A_306 = arith.constant 32 : i32
          %ge3A_307 = arith.cmpi sge, %while3A_293, %ge3A_306 : i32
          %convert_element_type3A_308 = arith.extui %ge3A_307 : i1 to i32
          %cond3A_309 = arith.constant 0 : i32
          %cond3A_310 = arith.cmpi ne, %convert_element_type3A_308, %cond3A_309 : i32
          %cond3A_311 = scf.if %cond3A_310 -> (i32) {
            %dma_wait3A_358 = arith.constant 0 : i32
            %dma_wait3A_359 = tpu.memref_slice %arg11[%dma_wait3A_358] : memref<4096xf32, #tpu.memory_space<vmem>> -> memref<2048xf32, #tpu.memory_space<vmem>>
            %dma_wait3A_360 = arith.constant 0 : i32
            %dma_wait3A_361 = tpu.memref_slice %arg4[%dma_wait3A_360] : memref<1048576xf32, #tpu.memory_space<hbm>> -> memref<2048xf32, #tpu.memory_space<hbm>>
            %dma_wait3A_362 = arith.constant 0 : i32
            %dma_wait3A_363 = tpu.memref_slice %arg11[%dma_wait3A_362] : memref<4096xf32, #tpu.memory_space<vmem>> -> memref<2048xf32, #tpu.memory_space<vmem>>
            %dma_wait3A_364 = arith.constant 0 : i32
            %dma_wait3A_365 = tpu.memref_slice %arg4[%dma_wait3A_364] : memref<1048576xf32, #tpu.memory_space<hbm>> -> memref<2048xf32, #tpu.memory_space<hbm>>
            tpu.wait_dma2 semaphore(%arg14 : memref<!tpu.dma_semaphore, #tpu.memory_space<semaphore_mem>>) src(%dma_wait3A_365 : memref<2048xf32, #tpu.memory_space<hbm>>) dst(%dma_wait3A_363 : memref<2048xf32, #tpu.memory_space<vmem>>)
            %cond3A_366 = arith.constant 0 : i32
            scf.yield %cond3A_366 : i32
          } else {
            scf.yield %while3A_293 : i32
          }
          %mul3A_312 = arith.constant 128 : i32
          %mul3A_313 = arith.muli %cond3A_311, %mul3A_312 : i32
          %multiple_of3A_314 = tpu.assume_multiple %mul3A_313, 8 : i32
          %add3A_315 = arith.constant 0 : i32
          %add3A_316 = vector.broadcast %add3A_315 : i32 to vector<16xi32>
          %add3A_317 = arith.addi %add3A_316, %iota3A : vector<16xi32>
          %gather3A_318 = tpu.vector_load_idx %arg9[%add3A_317, %broadcast_in_dim3A_305] : memref<64x896xf32, #tpu.memory_space<vmem>>[vector<16xi32>, vector<16xi32>], vector<16xf32>,
          %add3A_319 = arith.constant 0 : i32
          %add3A_320 = arith.addi %multiple_of3A_314, %add3A_319 : i32
          %swap3A = arith.index_cast %add3A_320 : i32 to index
          %swap3A_321 = tpu.vector_load %arg11[%swap3A] {strides = array<i32>} : memref<4096xf32, #tpu.memory_space<vmem>>, vector<16xf32>,
          tpu.vector_store %arg11[%swap3A], %gather3A_318 {strides = array<i32>} : memref<4096xf32, #tpu.memory_space<vmem>>, vector<16xf32>,
          %add3A_322 = arith.constant 16 : i32
          %add3A_323 = vector.broadcast %add3A_322 : i32 to vector<16xi32>
          %add3A_324 = arith.addi %add3A_323, %iota3A : vector<16xi32>
          %gather3A_325 = tpu.vector_load_idx %arg9[%add3A_324, %broadcast_in_dim3A_305] : memref<64x896xf32, #tpu.memory_space<vmem>>[vector<16xi32>, vector<16xi32>], vector<16xf32>,
          %add3A_326 = arith.constant 16 : i32
          %add3A_327 = arith.addi %multiple_of3A_314, %add3A_326 : i32
          %swap3A_328 = arith.index_cast %add3A_327 : i32 to index
          %swap3A_329 = tpu.vector_load %arg11[%swap3A_328] {strides = array<i32>} : memref<4096xf32, #tpu.memory_space<vmem>>, vector<16xf32>,
          tpu.vector_store %arg11[%swap3A_328], %gather3A_325 {strides = array<i32>} : memref<4096xf32, #tpu.memory_space<vmem>>, vector<16xf32>,
          %add3A_330 = arith.constant 32 : i32
          %add3A_331 = vector.broadcast %add3A_330 : i32 to vector<16xi32>
          %add3A_332 = arith.addi %add3A_331, %iota3A : vector<16xi32>
          %gather3A_333 = tpu.vector_load_idx %arg9[%add3A_332, %broadcast_in_dim3A_305] : memref<64x896xf32, #tpu.memory_space<vmem>>[vector<16xi32>, vector<16xi32>], vector<16xf32>,
          %add3A_334 = arith.constant 32 : i32
          %add3A_335 = arith.addi %multiple_of3A_314, %add3A_334 : i32
          %swap3A_336 = arith.index_cast %add3A_335 : i32 to index
          %swap3A_337 = tpu.vector_load %arg11[%swap3A_336] {strides = array<i32>} : memref<4096xf32, #tpu.memory_space<vmem>>, vector<16xf32>,
          tpu.vector_store %arg11[%swap3A_336], %gather3A_333 {strides = array<i32>} : memref<4096xf32, #tpu.memory_space<vmem>>, vector<16xf32>,
          %add3A_338 = arith.constant 48 : i32
          %add3A_339 = vector.broadcast %add3A_338 : i32 to vector<16xi32>
          %add3A_340 = arith.addi %add3A_339, %iota3A : vector<16xi32>
          %gather3A_341 = tpu.vector_load_idx %arg9[%add3A_340, %broadcast_in_dim3A_305] : memref<64x896xf32, #tpu.memory_space<vmem>>[vector<16xi32>, vector<16xi32>], vector<16xf32>,
          %add3A_342 = arith.constant 48 : i32
          %add3A_343 = arith.addi %multiple_of3A_314, %add3A_342 : i32
          %swap3A_344 = arith.index_cast %add3A_343 : i32 to index
          %swap3A_345 = tpu.vector_load %arg11[%swap3A_344] {strides = array<i32>} : memref<4096xf32, #tpu.memory_space<vmem>>, vector<16xf32>,
          tpu.vector_store %arg11[%swap3A_344], %gather3A_341 {strides = array<i32>} : memref<4096xf32, #tpu.memory_space<vmem>>, vector<16xf32>,
          %mul3A_346 = arith.constant 64 : i32
          %mul3A_347 = arith.muli %squeeze3A_301, %mul3A_346 : i32
          %multiple_of3A_348 = tpu.assume_multiple %mul3A_347, 8 : i32
          %dma_start3A_349 = tpu.memref_slice %arg11[%multiple_of3A_314] : memref<4096xf32, #tpu.memory_space<vmem>> -> memref<64xf32, #tpu.memory_space<vmem>>
          %dma_start3A_350 = tpu.memref_slice %arg4[%multiple_of3A_348] : memref<1048576xf32, #tpu.memory_space<hbm>> -> memref<64xf32, #tpu.memory_space<hbm>>
          %dma_start3A_351 = tpu.memref_slice %arg4[%multiple_of3A_348] : memref<1048576xf32, #tpu.memory_space<hbm>> -> memref<64xf32, #tpu.memory_space<hbm>>
          %dma_start3A_352 = tpu.memref_slice %arg11[%multiple_of3A_314] : memref<4096xf32, #tpu.memory_space<vmem>> -> memref<64xf32, #tpu.memory_space<vmem>>
          tpu.enqueue_dma source(%dma_start3A_352 : memref<64xf32, #tpu.memory_space<vmem>>) target(%dma_start3A_351 : memref<64xf32, #tpu.memory_space<hbm>>) target_semaphore(%arg14 : memref<!tpu.dma_semaphore, #tpu.memory_space<semaphore_mem>>)
          %ne3A_353 = vector.broadcast %squeeze3A : i32 to vector<16xi32>
          %ne3A_354 = arith.cmpi ne, %iota3A, %ne3A_353 : vector<16xi32>
          %and3A_355 = arith.andi %while3A_292, %ne3A_354 : vector<16xi1>
          %add3A_356 = arith.constant 1 : i32
          %add3A_357 = arith.addi %cond3A_311, %add3A_356 : i32
          scf.yield %and3A_355, %add3A_357 : vector<16xi1>, i32
        }
        scf.yield %while3A_291#1 : i32
      }
      %add3A_265 = arith.constant 2 : i32
      %add3A_266 = arith.addi %mul3A_208, %add3A_265 : i32
      %lt3A = arith.cmpi slt, %add3A_266, %select_n3A : i32
      %convert_element_type3A = arith.extui %lt3A : i1 to i32
      %cond3A = arith.constant 0 : i32
      %cond3A_267 = arith.cmpi ne, %convert_element_type3A, %cond3A : i32
      scf.if %cond3A_267 {
        %add3A_273 = arith.constant 2 : i32
        %add3A_274 = arith.addi %mul3A_208, %add3A_273 : i32
        %mul3A_275 = arith.constant 7 : i32
        %mul3A_276 = arith.muli %mul3A_275, %add3A_274 : i32
        %add3A_277 = arith.addi %mul3A_2, %mul3A_276 : i32
        %min3A_278 = arith.constant 7806 : i32
        %min3A_279 = arith.minsi %add3A_277, %min3A_278 : i32
        %mul3A_280 = arith.constant 128 : i32
        %mul3A_281 = arith.muli %min3A_279, %mul3A_280 : i32
        %multiple_of3A_282 = tpu.assume_multiple %mul3A_281, 128 : i32
        %dma_start3A_283 = arith.constant 0 : i32
        %dma_start3A_284 = tpu.memref_slice %arg3[%dma_start3A_283, %multiple_of3A_282] : memref<64x1000000xf32, #tpu.memory_space<hbm>> -> memref<64x896xf32, #tpu.memory_space<hbm>>
        %dma_start3A_285 = arith.constant 0 : i32
        %dma_start3A_286 = tpu.memref_slice %arg3[%dma_start3A_285, %multiple_of3A_282] : memref<64x1000000xf32, #tpu.memory_space<hbm>> -> memref<64x896xf32, #tpu.memory_space<hbm>>
        tpu.enqueue_dma source(%dma_start3A_286 : memref<64x896xf32, #tpu.memory_space<hbm>>) target(%arg9 : memref<64x896xf32, #tpu.memory_space<vmem>>) target_semaphore(%arg12 : memref<!tpu.dma_semaphore, #tpu.memory_space<semaphore_mem>>)
      } else {
      }
      %lt3A_268 = arith.cmpi slt, %add3A_210, %select_n3A : i32
      %convert_element_type3A_269 = arith.extui %lt3A_268 : i1 to i32
      %cond3A_270 = arith.constant 0 : i32
      %cond3A_271 = arith.cmpi ne, %convert_element_type3A_269, %cond3A_270 : i32
      %cond3A_272 = scf.if %cond3A_271 -> (i32) {
        %dma_wait3A_273 = arith.constant 0 : i32
        %dma_wait3A_274 = arith.constant 0 : i32
        %dma_wait3A_275 = tpu.memref_slice %arg3[%dma_wait3A_273, %dma_wait3A_274] : memref<64x1000000xf32, #tpu.memory_space<hbm>> -> memref<64x896xf32, #tpu.memory_space<hbm>>
        %dma_wait3A_276 = arith.constant 0 : i32
        %dma_wait3A_277 = arith.constant 0 : i32
        %dma_wait3A_278 = tpu.memref_slice %arg3[%dma_wait3A_276, %dma_wait3A_277] : memref<64x1000000xf32, #tpu.memory_space<hbm>> -> memref<64x896xf32, #tpu.memory_space<hbm>>
        tpu.wait_dma2 semaphore(%arg13 : memref<!tpu.dma_semaphore, #tpu.memory_space<semaphore_mem>>) src(%dma_wait3A_278 : memref<64x896xf32, #tpu.memory_space<hbm>>) dst(%arg10 : memref<64x896xf32, #tpu.memory_space<vmem>>)
        %mul3A_279 = arith.constant 7 : i32
        %mul3A_280 = arith.muli %mul3A_279, %add3A_210 : i32
        %add3A_281 = arith.addi %mul3A_2, %mul3A_280 : i32
        %min3A_282 = arith.constant 7806 : i32
        %min3A_283 = arith.minsi %add3A_281, %min3A_282 : i32
        %mul3A_284 = arith.constant 7 : i32
        %mul3A_285 = arith.muli %mul3A_284, %add3A_210 : i32
        %add3A_286 = arith.addi %mul3A_2, %mul3A_285 : i32
        %add3A_287 = arith.constant 7 : i32
        %add3A_288 = arith.addi %add3A_286, %add3A_287 : i32
        %min3A_289 = arith.minsi %add3A_288, %min3A_5 : i32
        %add3A_290 = arith.constant 15 : i32
        %add3A_291 = arith.addi %scan3A_156, %add3A_290 : i32
        %jit3A_292 = arith.constant 16 : i32
        %div3A_293 = arith.divsi %add3A_291, %jit3A_292 : i32
        %sign3A_294 = arith.constant 0 : i32
        %sign3A_295 = arith.cmpi sgt, %add3A_291, %sign3A_294 : i32
        %sign3A_296 = arith.extui %sign3A_295 : i1 to i32
        %sign3A_297 = arith.constant 0 : i32
        %sign3A_298 = arith.cmpi slt, %add3A_291, %sign3A_297 : i32
        %sign3A_299 = arith.extui %sign3A_298 : i1 to i32
        %sign3A_300 = arith.subi %sign3A_296, %sign3A_299 : i32
        %sign3A_301 = arith.constant 0 : i32
        %sign3A_302 = arith.cmpi sgt, %jit3A_292, %sign3A_301 : i32
        %sign3A_303 = arith.extui %sign3A_302 : i1 to i32
        %sign3A_304 = arith.constant 0 : i32
        %sign3A_305 = arith.cmpi slt, %jit3A_292, %sign3A_304 : i32
        %sign3A_306 = arith.extui %sign3A_305 : i1 to i32
        %sign3A_307 = arith.subi %sign3A_303, %sign3A_306 : i32
        %ne3A_308 = arith.cmpi ne, %sign3A_300, %sign3A_307 : i32
        %rem3A_309 = arith.remsi %add3A_291, %jit3A_292 : i32
        %ne3A_310 = arith.constant 0 : i32
        %ne3A_311 = arith.cmpi ne, %rem3A_309, %ne3A_310 : i32
        %and3A_312 = arith.andi %ne3A_308, %ne3A_311 : i1
        %sub3A_313 = arith.constant 1 : i32
        %sub3A_314 = arith.subi %div3A_293, %sub3A_313 : i32
        %select_n3A_315 = arith.select %and3A_312, %sub3A_314, %div3A_293 : i32
        %while3A_316 = arith.constant 0 : i32
        %while3A_317 = arith.subi %select_n3A_315, %while3A_316 : i32
        %while3A_318 = arith.addi %while3A_316, %while3A_317 : i32
        %while3A_319 = arith.constant 1 : i32
        %while3A_320 = arith.divsi %while3A_317, %while3A_319 : i32
        %while3A_321 = arith.muli %while3A_320, %while3A_319 : i32
        %while3A_322 = arith.addi %while3A_316, %while3A_321 : i32
        %while3A_323 = arith.constant 1 : i32
        %while3A_324 = scf.for %while3A_333 = %while3A_316 to %while3A_322 step %while3A_323 iter_args(%while3A_334 = %while3A_264) -> (i32)  : i32 {
          %mul3A_335 = arith.constant 16 : i32
          %mul3A_336 = arith.muli %while3A_333, %mul3A_335 : i32
          %get3A = arith.index_cast %mul3A_336 : i32 to index
          %get3A_337 = tpu.vector_load %arg7[%get3A] {strides = array<i32>} : memref<2064xi32, #tpu.memory_space<vmem>>, vector<16xi32>,
          %shift_right_arithmetic3A = arith.constant 7 : i32
          %shift_right_arithmetic3A_338 = vector.broadcast %shift_right_arithmetic3A : i32 to vector<16xi32>
          %shift_right_arithmetic3A_339 = arith.shrsi %get3A_337, %shift_right_arithmetic3A_338 : vector<16xi32>
          %mul3A_340 = arith.constant 16 : i32
          %mul3A_341 = arith.muli %while3A_333, %mul3A_340 : i32
          %add3A_342 = vector.broadcast %mul3A_341 : i32 to vector<16xi32>
          %add3A_343 = arith.addi %add3A_342, %iota3A : vector<16xi32>
          %lt3A_344 = vector.broadcast %scan3A_156 : i32 to vector<16xi32>
          %lt3A_345 = arith.cmpi slt, %add3A_343, %lt3A_344 : vector<16xi32>
          %ge3A = vector.broadcast %add3A_286 : i32 to vector<16xi32>
          %ge3A_346 = arith.cmpi sge, %shift_right_arithmetic3A_339, %ge3A : vector<16xi32>
          %and3A_347 = arith.andi %lt3A_345, %ge3A_346 : vector<16xi1>
          %lt3A_348 = vector.broadcast %min3A_289 : i32 to vector<16xi32>
          %lt3A_349 = arith.cmpi slt, %shift_right_arithmetic3A_339, %lt3A_348 : vector<16xi32>
          %and3A_350 = arith.andi %and3A_347, %lt3A_349 : vector<16xi1>
          %while3A_351:2 = scf.while (%while3A_352 = %and3A_350, %while3A_353 = %while3A_334) : (vector<16xi1>, i32) -> (vector<16xi1>, i32) {
            %reduce_or3A = arith.constant 1.000000e+00 : f32
            %reduce_or3A_354 = arith.constant 0.000000e+00 : f32
            %reduce_or3A_355 = vector.broadcast %reduce_or3A : f32 to vector<16xf32>
            %reduce_or3A_356 = vector.broadcast %reduce_or3A_354 : f32 to vector<16xf32>
            %reduce_or3A_357 = arith.select %while3A_352, %reduce_or3A_355, %reduce_or3A_356 : vector<16xi1>, vector<16xf32>
            %reduce_or3A_358 = arith.constant true
            %reduce_or3A_359 = vector.broadcast %reduce_or3A_358 : i1 to vector<16xi1>
            %reduce_or3A_360 = tpu.scan <max>, %reduce_or3A_357 masked %reduce_or3A_359 : vector<16xf32>, vector<16xi1> -> vector<16xf32>
            %reduce_or3A_361 = vector.extract %reduce_or3A_360[15] : f32 from vector<16xf32>
            %reduce_or3A_362 = arith.constant 0.000000e+00 : f32
            %reduce_or3A_363 = arith.cmpf ogt, %reduce_or3A_361, %reduce_or3A_362 : f32
            scf.condition(%reduce_or3A_363) %while3A_352, %while3A_353 : vector<16xi1>, i32
          } do {
          ^bb0(%while3A_352: vector<16xi1>, %while3A_353: i32):
            %all_reduce_ffs3A = tpu.all_reduce %while3A_352 {dim = 0 : i64, kind = #tpu.reduction_kind<find_first_set>} : vector<16xi1> -> vector<16xi32>
            %slice3A = vector.extract_strided_slice %all_reduce_ffs3A {offsets = [0], sizes = [1], strides = [1]} : vector<16xi32> to vector<1xi32>
            %squeeze3A = vector.extract %slice3A[0] : i32 from vector<1xi32>
            %mul3A_354 = arith.constant 16 : i32
            %mul3A_355 = arith.muli %while3A_333, %mul3A_354 : i32
            %add3A_356 = arith.addi %mul3A_355, %squeeze3A : i32
            %broadcast_in_dim3A = vector.broadcast %add3A_356 : i32 to vector<16xi32>
            %gather3A = tpu.vector_load_idx %arg7[%broadcast_in_dim3A] : memref<2064xi32, #tpu.memory_space<vmem>>[vector<16xi32>], vector<16xi32>,
            %slice3A_357 = vector.extract_strided_slice %gather3A {offsets = [0], sizes = [1], strides = [1]} : vector<16xi32> to vector<1xi32>
            %squeeze3A_358 = vector.extract %slice3A_357[0] : i32 from vector<1xi32>
            %gather3A_359 = tpu.vector_load_idx %arg8[%broadcast_in_dim3A] : memref<2064xi32, #tpu.memory_space<vmem>>[vector<16xi32>], vector<16xi32>,
            %slice3A_360 = vector.extract_strided_slice %gather3A_359 {offsets = [0], sizes = [1], strides = [1]} : vector<16xi32> to vector<1xi32>
            %squeeze3A_361 = vector.extract %slice3A_360[0] : i32 from vector<1xi32>
            %mul3A_362 = arith.constant 128 : i32
            %mul3A_363 = arith.muli %min3A_283, %mul3A_362 : i32
            %sub3A_364 = arith.subi %squeeze3A_358, %mul3A_363 : i32
            %broadcast_in_dim3A_365 = vector.broadcast %sub3A_364 : i32 to vector<16xi32>
            %ge3A_366 = arith.constant 32 : i32
            %ge3A_367 = arith.cmpi sge, %while3A_353, %ge3A_366 : i32
            %convert_element_type3A_368 = arith.extui %ge3A_367 : i1 to i32
            %cond3A_369 = arith.constant 0 : i32
            %cond3A_370 = arith.cmpi ne, %convert_element_type3A_368, %cond3A_369 : i32
            %cond3A_371 = scf.if %cond3A_370 -> (i32) {
              %dma_wait3A_418 = arith.constant 0 : i32
              %dma_wait3A_419 = tpu.memref_slice %arg11[%dma_wait3A_418] : memref<4096xf32, #tpu.memory_space<vmem>> -> memref<2048xf32, #tpu.memory_space<vmem>>
              %dma_wait3A_420 = arith.constant 0 : i32
              %dma_wait3A_421 = tpu.memref_slice %arg4[%dma_wait3A_420] : memref<1048576xf32, #tpu.memory_space<hbm>> -> memref<2048xf32, #tpu.memory_space<hbm>>
              %dma_wait3A_422 = arith.constant 0 : i32
              %dma_wait3A_423 = tpu.memref_slice %arg11[%dma_wait3A_422] : memref<4096xf32, #tpu.memory_space<vmem>> -> memref<2048xf32, #tpu.memory_space<vmem>>
              %dma_wait3A_424 = arith.constant 0 : i32
              %dma_wait3A_425 = tpu.memref_slice %arg4[%dma_wait3A_424] : memref<1048576xf32, #tpu.memory_space<hbm>> -> memref<2048xf32, #tpu.memory_space<hbm>>
              tpu.wait_dma2 semaphore(%arg14 : memref<!tpu.dma_semaphore, #tpu.memory_space<semaphore_mem>>) src(%dma_wait3A_425 : memref<2048xf32, #tpu.memory_space<hbm>>) dst(%dma_wait3A_423 : memref<2048xf32, #tpu.memory_space<vmem>>)
              %cond3A_426 = arith.constant 0 : i32
              scf.yield %cond3A_426 : i32
            } else {
              scf.yield %while3A_353 : i32
            }
            %mul3A_372 = arith.constant 128 : i32
            %mul3A_373 = arith.muli %cond3A_371, %mul3A_372 : i32
            %multiple_of3A_374 = tpu.assume_multiple %mul3A_373, 8 : i32
            %add3A_375 = arith.constant 0 : i32
            %add3A_376 = vector.broadcast %add3A_375 : i32 to vector<16xi32>
            %add3A_377 = arith.addi %add3A_376, %iota3A : vector<16xi32>
            %gather3A_378 = tpu.vector_load_idx %arg10[%add3A_377, %broadcast_in_dim3A_365] : memref<64x896xf32, #tpu.memory_space<vmem>>[vector<16xi32>, vector<16xi32>], vector<16xf32>,
            %add3A_379 = arith.constant 0 : i32
            %add3A_380 = arith.addi %multiple_of3A_374, %add3A_379 : i32
            %swap3A = arith.index_cast %add3A_380 : i32 to index
            %swap3A_381 = tpu.vector_load %arg11[%swap3A] {strides = array<i32>} : memref<4096xf32, #tpu.memory_space<vmem>>, vector<16xf32>,
            tpu.vector_store %arg11[%swap3A], %gather3A_378 {strides = array<i32>} : memref<4096xf32, #tpu.memory_space<vmem>>, vector<16xf32>,
            %add3A_382 = arith.constant 16 : i32
            %add3A_383 = vector.broadcast %add3A_382 : i32 to vector<16xi32>
            %add3A_384 = arith.addi %add3A_383, %iota3A : vector<16xi32>
            %gather3A_385 = tpu.vector_load_idx %arg10[%add3A_384, %broadcast_in_dim3A_365] : memref<64x896xf32, #tpu.memory_space<vmem>>[vector<16xi32>, vector<16xi32>], vector<16xf32>,
            %add3A_386 = arith.constant 16 : i32
            %add3A_387 = arith.addi %multiple_of3A_374, %add3A_386 : i32
            %swap3A_388 = arith.index_cast %add3A_387 : i32 to index
            %swap3A_389 = tpu.vector_load %arg11[%swap3A_388] {strides = array<i32>} : memref<4096xf32, #tpu.memory_space<vmem>>, vector<16xf32>,
            tpu.vector_store %arg11[%swap3A_388], %gather3A_385 {strides = array<i32>} : memref<4096xf32, #tpu.memory_space<vmem>>, vector<16xf32>,
            %add3A_390 = arith.constant 32 : i32
            %add3A_391 = vector.broadcast %add3A_390 : i32 to vector<16xi32>
            %add3A_392 = arith.addi %add3A_391, %iota3A : vector<16xi32>
            %gather3A_393 = tpu.vector_load_idx %arg10[%add3A_392, %broadcast_in_dim3A_365] : memref<64x896xf32, #tpu.memory_space<vmem>>[vector<16xi32>, vector<16xi32>], vector<16xf32>,
            %add3A_394 = arith.constant 32 : i32
            %add3A_395 = arith.addi %multiple_of3A_374, %add3A_394 : i32
            %swap3A_396 = arith.index_cast %add3A_395 : i32 to index
            %swap3A_397 = tpu.vector_load %arg11[%swap3A_396] {strides = array<i32>} : memref<4096xf32, #tpu.memory_space<vmem>>, vector<16xf32>,
            tpu.vector_store %arg11[%swap3A_396], %gather3A_393 {strides = array<i32>} : memref<4096xf32, #tpu.memory_space<vmem>>, vector<16xf32>,
            %add3A_398 = arith.constant 48 : i32
            %add3A_399 = vector.broadcast %add3A_398 : i32 to vector<16xi32>
            %add3A_400 = arith.addi %add3A_399, %iota3A : vector<16xi32>
            %gather3A_401 = tpu.vector_load_idx %arg10[%add3A_400, %broadcast_in_dim3A_365] : memref<64x896xf32, #tpu.memory_space<vmem>>[vector<16xi32>, vector<16xi32>], vector<16xf32>,
            %add3A_402 = arith.constant 48 : i32
            %add3A_403 = arith.addi %multiple_of3A_374, %add3A_402 : i32
            %swap3A_404 = arith.index_cast %add3A_403 : i32 to index
            %swap3A_405 = tpu.vector_load %arg11[%swap3A_404] {strides = array<i32>} : memref<4096xf32, #tpu.memory_space<vmem>>, vector<16xf32>,
            tpu.vector_store %arg11[%swap3A_404], %gather3A_401 {strides = array<i32>} : memref<4096xf32, #tpu.memory_space<vmem>>, vector<16xf32>,
            %mul3A_406 = arith.constant 64 : i32
            %mul3A_407 = arith.muli %squeeze3A_361, %mul3A_406 : i32
            %multiple_of3A_408 = tpu.assume_multiple %mul3A_407, 8 : i32
            %dma_start3A_409 = tpu.memref_slice %arg11[%multiple_of3A_374] : memref<4096xf32, #tpu.memory_space<vmem>> -> memref<64xf32, #tpu.memory_space<vmem>>
            %dma_start3A_410 = tpu.memref_slice %arg4[%multiple_of3A_408] : memref<1048576xf32, #tpu.memory_space<hbm>> -> memref<64xf32, #tpu.memory_space<hbm>>
            %dma_start3A_411 = tpu.memref_slice %arg4[%multiple_of3A_408] : memref<1048576xf32, #tpu.memory_space<hbm>> -> memref<64xf32, #tpu.memory_space<hbm>>
            %dma_start3A_412 = tpu.memref_slice %arg11[%multiple_of3A_374] : memref<4096xf32, #tpu.memory_space<vmem>> -> memref<64xf32, #tpu.memory_space<vmem>>
            tpu.enqueue_dma source(%dma_start3A_412 : memref<64xf32, #tpu.memory_space<vmem>>) target(%dma_start3A_411 : memref<64xf32, #tpu.memory_space<hbm>>) target_semaphore(%arg14 : memref<!tpu.dma_semaphore, #tpu.memory_space<semaphore_mem>>)
            %ne3A_413 = vector.broadcast %squeeze3A : i32 to vector<16xi32>
            %ne3A_414 = arith.cmpi ne, %iota3A, %ne3A_413 : vector<16xi32>
            %and3A_415 = arith.andi %while3A_352, %ne3A_414 : vector<16xi1>
            %add3A_416 = arith.constant 1 : i32
            %add3A_417 = arith.addi %cond3A_371, %add3A_416 : i32
            scf.yield %and3A_415, %add3A_417 : vector<16xi1>, i32
          }
          scf.yield %while3A_351#1 : i32
        }
        %while3A_325 = arith.constant 1 : i32
        %while3A_326 = scf.for %while3A_333 = %while3A_322 to %while3A_318 step %while3A_325 iter_args(%while3A_334 = %while3A_324) -> (i32)  : i32 {
          %mul3A_335 = arith.constant 16 : i32
          %mul3A_336 = arith.muli %while3A_333, %mul3A_335 : i32
          %get3A = arith.index_cast %mul3A_336 : i32 to index
          %get3A_337 = tpu.vector_load %arg7[%get3A] {strides = array<i32>} : memref<2064xi32, #tpu.memory_space<vmem>>, vector<16xi32>,
          %shift_right_arithmetic3A = arith.constant 7 : i32
          %shift_right_arithmetic3A_338 = vector.broadcast %shift_right_arithmetic3A : i32 to vector<16xi32>
          %shift_right_arithmetic3A_339 = arith.shrsi %get3A_337, %shift_right_arithmetic3A_338 : vector<16xi32>
          %mul3A_340 = arith.constant 16 : i32
          %mul3A_341 = arith.muli %while3A_333, %mul3A_340 : i32
          %add3A_342 = vector.broadcast %mul3A_341 : i32 to vector<16xi32>
          %add3A_343 = arith.addi %add3A_342, %iota3A : vector<16xi32>
          %lt3A_344 = vector.broadcast %scan3A_156 : i32 to vector<16xi32>
          %lt3A_345 = arith.cmpi slt, %add3A_343, %lt3A_344 : vector<16xi32>
          %ge3A = vector.broadcast %add3A_286 : i32 to vector<16xi32>
          %ge3A_346 = arith.cmpi sge, %shift_right_arithmetic3A_339, %ge3A : vector<16xi32>
          %and3A_347 = arith.andi %lt3A_345, %ge3A_346 : vector<16xi1>
          %lt3A_348 = vector.broadcast %min3A_289 : i32 to vector<16xi32>
          %lt3A_349 = arith.cmpi slt, %shift_right_arithmetic3A_339, %lt3A_348 : vector<16xi32>
          %and3A_350 = arith.andi %and3A_347, %lt3A_349 : vector<16xi1>
          %while3A_351:2 = scf.while (%while3A_352 = %and3A_350, %while3A_353 = %while3A_334) : (vector<16xi1>, i32) -> (vector<16xi1>, i32) {
            %reduce_or3A = arith.constant 1.000000e+00 : f32
            %reduce_or3A_354 = arith.constant 0.000000e+00 : f32
            %reduce_or3A_355 = vector.broadcast %reduce_or3A : f32 to vector<16xf32>
            %reduce_or3A_356 = vector.broadcast %reduce_or3A_354 : f32 to vector<16xf32>
            %reduce_or3A_357 = arith.select %while3A_352, %reduce_or3A_355, %reduce_or3A_356 : vector<16xi1>, vector<16xf32>
            %reduce_or3A_358 = arith.constant true
            %reduce_or3A_359 = vector.broadcast %reduce_or3A_358 : i1 to vector<16xi1>
            %reduce_or3A_360 = tpu.scan <max>, %reduce_or3A_357 masked %reduce_or3A_359 : vector<16xf32>, vector<16xi1> -> vector<16xf32>
            %reduce_or3A_361 = vector.extract %reduce_or3A_360[15] : f32 from vector<16xf32>
            %reduce_or3A_362 = arith.constant 0.000000e+00 : f32
            %reduce_or3A_363 = arith.cmpf ogt, %reduce_or3A_361, %reduce_or3A_362 : f32
            scf.condition(%reduce_or3A_363) %while3A_352, %while3A_353 : vector<16xi1>, i32
          } do {
          ^bb0(%while3A_352: vector<16xi1>, %while3A_353: i32):
            %all_reduce_ffs3A = tpu.all_reduce %while3A_352 {dim = 0 : i64, kind = #tpu.reduction_kind<find_first_set>} : vector<16xi1> -> vector<16xi32>
            %slice3A = vector.extract_strided_slice %all_reduce_ffs3A {offsets = [0], sizes = [1], strides = [1]} : vector<16xi32> to vector<1xi32>
            %squeeze3A = vector.extract %slice3A[0] : i32 from vector<1xi32>
            %mul3A_354 = arith.constant 16 : i32
            %mul3A_355 = arith.muli %while3A_333, %mul3A_354 : i32
            %add3A_356 = arith.addi %mul3A_355, %squeeze3A : i32
            %broadcast_in_dim3A = vector.broadcast %add3A_356 : i32 to vector<16xi32>
            %gather3A = tpu.vector_load_idx %arg7[%broadcast_in_dim3A] : memref<2064xi32, #tpu.memory_space<vmem>>[vector<16xi32>], vector<16xi32>,
            %slice3A_357 = vector.extract_strided_slice %gather3A {offsets = [0], sizes = [1], strides = [1]} : vector<16xi32> to vector<1xi32>
            %squeeze3A_358 = vector.extract %slice3A_357[0] : i32 from vector<1xi32>
            %gather3A_359 = tpu.vector_load_idx %arg8[%broadcast_in_dim3A] : memref<2064xi32, #tpu.memory_space<vmem>>[vector<16xi32>], vector<16xi32>,
            %slice3A_360 = vector.extract_strided_slice %gather3A_359 {offsets = [0], sizes = [1], strides = [1]} : vector<16xi32> to vector<1xi32>
            %squeeze3A_361 = vector.extract %slice3A_360[0] : i32 from vector<1xi32>
            %mul3A_362 = arith.constant 128 : i32
            %mul3A_363 = arith.muli %min3A_283, %mul3A_362 : i32
            %sub3A_364 = arith.subi %squeeze3A_358, %mul3A_363 : i32
            %broadcast_in_dim3A_365 = vector.broadcast %sub3A_364 : i32 to vector<16xi32>
            %ge3A_366 = arith.constant 32 : i32
            %ge3A_367 = arith.cmpi sge, %while3A_353, %ge3A_366 : i32
            %convert_element_type3A_368 = arith.extui %ge3A_367 : i1 to i32
            %cond3A_369 = arith.constant 0 : i32
            %cond3A_370 = arith.cmpi ne, %convert_element_type3A_368, %cond3A_369 : i32
            %cond3A_371 = scf.if %cond3A_370 -> (i32) {
              %dma_wait3A_418 = arith.constant 0 : i32
              %dma_wait3A_419 = tpu.memref_slice %arg11[%dma_wait3A_418] : memref<4096xf32, #tpu.memory_space<vmem>> -> memref<2048xf32, #tpu.memory_space<vmem>>
              %dma_wait3A_420 = arith.constant 0 : i32
              %dma_wait3A_421 = tpu.memref_slice %arg4[%dma_wait3A_420] : memref<1048576xf32, #tpu.memory_space<hbm>> -> memref<2048xf32, #tpu.memory_space<hbm>>
              %dma_wait3A_422 = arith.constant 0 : i32
              %dma_wait3A_423 = tpu.memref_slice %arg11[%dma_wait3A_422] : memref<4096xf32, #tpu.memory_space<vmem>> -> memref<2048xf32, #tpu.memory_space<vmem>>
              %dma_wait3A_424 = arith.constant 0 : i32
              %dma_wait3A_425 = tpu.memref_slice %arg4[%dma_wait3A_424] : memref<1048576xf32, #tpu.memory_space<hbm>> -> memref<2048xf32, #tpu.memory_space<hbm>>
              tpu.wait_dma2 semaphore(%arg14 : memref<!tpu.dma_semaphore, #tpu.memory_space<semaphore_mem>>) src(%dma_wait3A_425 : memref<2048xf32, #tpu.memory_space<hbm>>) dst(%dma_wait3A_423 : memref<2048xf32, #tpu.memory_space<vmem>>)
              %cond3A_426 = arith.constant 0 : i32
              scf.yield %cond3A_426 : i32
            } else {
              scf.yield %while3A_353 : i32
            }
            %mul3A_372 = arith.constant 128 : i32
            %mul3A_373 = arith.muli %cond3A_371, %mul3A_372 : i32
            %multiple_of3A_374 = tpu.assume_multiple %mul3A_373, 8 : i32
            %add3A_375 = arith.constant 0 : i32
            %add3A_376 = vector.broadcast %add3A_375 : i32 to vector<16xi32>
            %add3A_377 = arith.addi %add3A_376, %iota3A : vector<16xi32>
            %gather3A_378 = tpu.vector_load_idx %arg10[%add3A_377, %broadcast_in_dim3A_365] : memref<64x896xf32, #tpu.memory_space<vmem>>[vector<16xi32>, vector<16xi32>], vector<16xf32>,
            %add3A_379 = arith.constant 0 : i32
            %add3A_380 = arith.addi %multiple_of3A_374, %add3A_379 : i32
            %swap3A = arith.index_cast %add3A_380 : i32 to index
            %swap3A_381 = tpu.vector_load %arg11[%swap3A] {strides = array<i32>} : memref<4096xf32, #tpu.memory_space<vmem>>, vector<16xf32>,
            tpu.vector_store %arg11[%swap3A], %gather3A_378 {strides = array<i32>} : memref<4096xf32, #tpu.memory_space<vmem>>, vector<16xf32>,
            %add3A_382 = arith.constant 16 : i32
            %add3A_383 = vector.broadcast %add3A_382 : i32 to vector<16xi32>
            %add3A_384 = arith.addi %add3A_383, %iota3A : vector<16xi32>
            %gather3A_385 = tpu.vector_load_idx %arg10[%add3A_384, %broadcast_in_dim3A_365] : memref<64x896xf32, #tpu.memory_space<vmem>>[vector<16xi32>, vector<16xi32>], vector<16xf32>,
            %add3A_386 = arith.constant 16 : i32
            %add3A_387 = arith.addi %multiple_of3A_374, %add3A_386 : i32
            %swap3A_388 = arith.index_cast %add3A_387 : i32 to index
            %swap3A_389 = tpu.vector_load %arg11[%swap3A_388] {strides = array<i32>} : memref<4096xf32, #tpu.memory_space<vmem>>, vector<16xf32>,
            tpu.vector_store %arg11[%swap3A_388], %gather3A_385 {strides = array<i32>} : memref<4096xf32, #tpu.memory_space<vmem>>, vector<16xf32>,
            %add3A_390 = arith.constant 32 : i32
            %add3A_391 = vector.broadcast %add3A_390 : i32 to vector<16xi32>
            %add3A_392 = arith.addi %add3A_391, %iota3A : vector<16xi32>
            %gather3A_393 = tpu.vector_load_idx %arg10[%add3A_392, %broadcast_in_dim3A_365] : memref<64x896xf32, #tpu.memory_space<vmem>>[vector<16xi32>, vector<16xi32>], vector<16xf32>,
            %add3A_394 = arith.constant 32 : i32
            %add3A_395 = arith.addi %multiple_of3A_374, %add3A_394 : i32
            %swap3A_396 = arith.index_cast %add3A_395 : i32 to index
            %swap3A_397 = tpu.vector_load %arg11[%swap3A_396] {strides = array<i32>} : memref<4096xf32, #tpu.memory_space<vmem>>, vector<16xf32>,
            tpu.vector_store %arg11[%swap3A_396], %gather3A_393 {strides = array<i32>} : memref<4096xf32, #tpu.memory_space<vmem>>, vector<16xf32>,
            %add3A_398 = arith.constant 48 : i32
            %add3A_399 = vector.broadcast %add3A_398 : i32 to vector<16xi32>
            %add3A_400 = arith.addi %add3A_399, %iota3A : vector<16xi32>
            %gather3A_401 = tpu.vector_load_idx %arg10[%add3A_400, %broadcast_in_dim3A_365] : memref<64x896xf32, #tpu.memory_space<vmem>>[vector<16xi32>, vector<16xi32>], vector<16xf32>,
            %add3A_402 = arith.constant 48 : i32
            %add3A_403 = arith.addi %multiple_of3A_374, %add3A_402 : i32
            %swap3A_404 = arith.index_cast %add3A_403 : i32 to index
            %swap3A_405 = tpu.vector_load %arg11[%swap3A_404] {strides = array<i32>} : memref<4096xf32, #tpu.memory_space<vmem>>, vector<16xf32>,
            tpu.vector_store %arg11[%swap3A_404], %gather3A_401 {strides = array<i32>} : memref<4096xf32, #tpu.memory_space<vmem>>, vector<16xf32>,
            %mul3A_406 = arith.constant 64 : i32
            %mul3A_407 = arith.muli %squeeze3A_361, %mul3A_406 : i32
            %multiple_of3A_408 = tpu.assume_multiple %mul3A_407, 8 : i32
            %dma_start3A_409 = tpu.memref_slice %arg11[%multiple_of3A_374] : memref<4096xf32, #tpu.memory_space<vmem>> -> memref<64xf32, #tpu.memory_space<vmem>>
            %dma_start3A_410 = tpu.memref_slice %arg4[%multiple_of3A_408] : memref<1048576xf32, #tpu.memory_space<hbm>> -> memref<64xf32, #tpu.memory_space<hbm>>
            %dma_start3A_411 = tpu.memref_slice %arg4[%multiple_of3A_408] : memref<1048576xf32, #tpu.memory_space<hbm>> -> memref<64xf32, #tpu.memory_space<hbm>>
            %dma_start3A_412 = tpu.memref_slice %arg11[%multiple_of3A_374] : memref<4096xf32, #tpu.memory_space<vmem>> -> memref<64xf32, #tpu.memory_space<vmem>>
            tpu.enqueue_dma source(%dma_start3A_412 : memref<64xf32, #tpu.memory_space<vmem>>) target(%dma_start3A_411 : memref<64xf32, #tpu.memory_space<hbm>>) target_semaphore(%arg14 : memref<!tpu.dma_semaphore, #tpu.memory_space<semaphore_mem>>)
            %ne3A_413 = vector.broadcast %squeeze3A : i32 to vector<16xi32>
            %ne3A_414 = arith.cmpi ne, %iota3A, %ne3A_413 : vector<16xi32>
            %and3A_415 = arith.andi %while3A_352, %ne3A_414 : vector<16xi1>
            %add3A_416 = arith.constant 1 : i32
            %add3A_417 = arith.addi %cond3A_371, %add3A_416 : i32
            scf.yield %and3A_415, %add3A_417 : vector<16xi1>, i32
          }
          scf.yield %while3A_351#1 : i32
        }
        %add3A_327 = arith.constant 2 : i32
        %add3A_328 = arith.addi %add3A_210, %add3A_327 : i32
        %lt3A_329 = arith.cmpi slt, %add3A_328, %select_n3A : i32
        %convert_element_type3A_330 = arith.extui %lt3A_329 : i1 to i32
        %cond3A_331 = arith.constant 0 : i32
        %cond3A_332 = arith.cmpi ne, %convert_element_type3A_330, %cond3A_331 : i32
        scf.if %cond3A_332 {
          %add3A_333 = arith.constant 2 : i32
          %add3A_334 = arith.addi %add3A_210, %add3A_333 : i32
          %mul3A_335 = arith.constant 7 : i32
          %mul3A_336 = arith.muli %mul3A_335, %add3A_334 : i32
          %add3A_337 = arith.addi %mul3A_2, %mul3A_336 : i32
          %min3A_338 = arith.constant 7806 : i32
          %min3A_339 = arith.minsi %add3A_337, %min3A_338 : i32
          %mul3A_340 = arith.constant 128 : i32
          %mul3A_341 = arith.muli %min3A_339, %mul3A_340 : i32
          %multiple_of3A_342 = tpu.assume_multiple %mul3A_341, 128 : i32
          %dma_start3A_343 = arith.constant 0 : i32
          %dma_start3A_344 = tpu.memref_slice %arg3[%dma_start3A_343, %multiple_of3A_342] : memref<64x1000000xf32, #tpu.memory_space<hbm>> -> memref<64x896xf32, #tpu.memory_space<hbm>>
          %dma_start3A_345 = arith.constant 0 : i32
          %dma_start3A_346 = tpu.memref_slice %arg3[%dma_start3A_345, %multiple_of3A_342] : memref<64x1000000xf32, #tpu.memory_space<hbm>> -> memref<64x896xf32, #tpu.memory_space<hbm>>
          tpu.enqueue_dma source(%dma_start3A_346 : memref<64x896xf32, #tpu.memory_space<hbm>>) target(%arg10 : memref<64x896xf32, #tpu.memory_space<vmem>>) target_semaphore(%arg13 : memref<!tpu.dma_semaphore, #tpu.memory_space<semaphore_mem>>)
        } else {
        }
        scf.yield %while3A_326 : i32
      } else {
        scf.yield %while3A_264 : i32
      }
      scf.yield %cond3A_272 : i32
    }
    %while3A_193 = arith.constant 1 : i32
    %while3A_194 = scf.for %while3A_205 = %while3A_190 to %while3A_186 step %while3A_193 iter_args(%while3A_206 = %while3A_192) -> (i32)  : i32 {
      %mul3A_207 = arith.constant 2 : i32
      %mul3A_208 = arith.muli %mul3A_207, %while3A_205 : i32
      %add3A_209 = arith.constant 1 : i32
      %add3A_210 = arith.addi %mul3A_208, %add3A_209 : i32
      %dma_wait3A_211 = arith.constant 0 : i32
      %dma_wait3A_212 = arith.constant 0 : i32
      %dma_wait3A_213 = tpu.memref_slice %arg3[%dma_wait3A_211, %dma_wait3A_212] : memref<64x1000000xf32, #tpu.memory_space<hbm>> -> memref<64x896xf32, #tpu.memory_space<hbm>>
      %dma_wait3A_214 = arith.constant 0 : i32
      %dma_wait3A_215 = arith.constant 0 : i32
      %dma_wait3A_216 = tpu.memref_slice %arg3[%dma_wait3A_214, %dma_wait3A_215] : memref<64x1000000xf32, #tpu.memory_space<hbm>> -> memref<64x896xf32, #tpu.memory_space<hbm>>
      tpu.wait_dma2 semaphore(%arg12 : memref<!tpu.dma_semaphore, #tpu.memory_space<semaphore_mem>>) src(%dma_wait3A_216 : memref<64x896xf32, #tpu.memory_space<hbm>>) dst(%arg9 : memref<64x896xf32, #tpu.memory_space<vmem>>)
      %mul3A_217 = arith.constant 7 : i32
      %mul3A_218 = arith.muli %mul3A_217, %mul3A_208 : i32
      %add3A_219 = arith.addi %mul3A_2, %mul3A_218 : i32
      %min3A_220 = arith.constant 7806 : i32
      %min3A_221 = arith.minsi %add3A_219, %min3A_220 : i32
      %mul3A_222 = arith.constant 7 : i32
      %mul3A_223 = arith.muli %mul3A_222, %mul3A_208 : i32
      %add3A_224 = arith.addi %mul3A_2, %mul3A_223 : i32
      %add3A_225 = arith.constant 7 : i32
      %add3A_226 = arith.addi %add3A_224, %add3A_225 : i32
      %min3A_227 = arith.minsi %add3A_226, %min3A_5 : i32
      %add3A_228 = arith.constant 15 : i32
      %add3A_229 = arith.addi %scan3A_156, %add3A_228 : i32
      %jit3A_230 = arith.constant 16 : i32
      %div3A_231 = arith.divsi %add3A_229, %jit3A_230 : i32
      %sign3A_232 = arith.constant 0 : i32
      %sign3A_233 = arith.cmpi sgt, %add3A_229, %sign3A_232 : i32
      %sign3A_234 = arith.extui %sign3A_233 : i1 to i32
      %sign3A_235 = arith.constant 0 : i32
      %sign3A_236 = arith.cmpi slt, %add3A_229, %sign3A_235 : i32
      %sign3A_237 = arith.extui %sign3A_236 : i1 to i32
      %sign3A_238 = arith.subi %sign3A_234, %sign3A_237 : i32
      %sign3A_239 = arith.constant 0 : i32
      %sign3A_240 = arith.cmpi sgt, %jit3A_230, %sign3A_239 : i32
      %sign3A_241 = arith.extui %sign3A_240 : i1 to i32
      %sign3A_242 = arith.constant 0 : i32
      %sign3A_243 = arith.cmpi slt, %jit3A_230, %sign3A_242 : i32
      %sign3A_244 = arith.extui %sign3A_243 : i1 to i32
      %sign3A_245 = arith.subi %sign3A_241, %sign3A_244 : i32
      %ne3A_246 = arith.cmpi ne, %sign3A_238, %sign3A_245 : i32
      %rem3A_247 = arith.remsi %add3A_229, %jit3A_230 : i32
      %ne3A_248 = arith.constant 0 : i32
      %ne3A_249 = arith.cmpi ne, %rem3A_247, %ne3A_248 : i32
      %and3A_250 = arith.andi %ne3A_246, %ne3A_249 : i1
      %sub3A_251 = arith.constant 1 : i32
      %sub3A_252 = arith.subi %div3A_231, %sub3A_251 : i32
      %select_n3A_253 = arith.select %and3A_250, %sub3A_252, %div3A_231 : i32
      %while3A_254 = arith.constant 0 : i32
      %while3A_255 = arith.subi %select_n3A_253, %while3A_254 : i32
      %while3A_256 = arith.addi %while3A_254, %while3A_255 : i32
      %while3A_257 = arith.constant 1 : i32
      %while3A_258 = arith.divsi %while3A_255, %while3A_257 : i32
      %while3A_259 = arith.muli %while3A_258, %while3A_257 : i32
      %while3A_260 = arith.addi %while3A_254, %while3A_259 : i32
      %while3A_261 = arith.constant 1 : i32
      %while3A_262 = scf.for %while3A_273 = %while3A_254 to %while3A_260 step %while3A_261 iter_args(%while3A_274 = %while3A_206) -> (i32)  : i32 {
        %mul3A_275 = arith.constant 16 : i32
        %mul3A_276 = arith.muli %while3A_273, %mul3A_275 : i32
        %get3A = arith.index_cast %mul3A_276 : i32 to index
        %get3A_277 = tpu.vector_load %arg7[%get3A] {strides = array<i32>} : memref<2064xi32, #tpu.memory_space<vmem>>, vector<16xi32>,
        %shift_right_arithmetic3A = arith.constant 7 : i32
        %shift_right_arithmetic3A_278 = vector.broadcast %shift_right_arithmetic3A : i32 to vector<16xi32>
        %shift_right_arithmetic3A_279 = arith.shrsi %get3A_277, %shift_right_arithmetic3A_278 : vector<16xi32>
        %mul3A_280 = arith.constant 16 : i32
        %mul3A_281 = arith.muli %while3A_273, %mul3A_280 : i32
        %add3A_282 = vector.broadcast %mul3A_281 : i32 to vector<16xi32>
        %add3A_283 = arith.addi %add3A_282, %iota3A : vector<16xi32>
        %lt3A_284 = vector.broadcast %scan3A_156 : i32 to vector<16xi32>
        %lt3A_285 = arith.cmpi slt, %add3A_283, %lt3A_284 : vector<16xi32>
        %ge3A = vector.broadcast %add3A_224 : i32 to vector<16xi32>
        %ge3A_286 = arith.cmpi sge, %shift_right_arithmetic3A_279, %ge3A : vector<16xi32>
        %and3A_287 = arith.andi %lt3A_285, %ge3A_286 : vector<16xi1>
        %lt3A_288 = vector.broadcast %min3A_227 : i32 to vector<16xi32>
        %lt3A_289 = arith.cmpi slt, %shift_right_arithmetic3A_279, %lt3A_288 : vector<16xi32>
        %and3A_290 = arith.andi %and3A_287, %lt3A_289 : vector<16xi1>
        %while3A_291:2 = scf.while (%while3A_292 = %and3A_290, %while3A_293 = %while3A_274) : (vector<16xi1>, i32) -> (vector<16xi1>, i32) {
          %reduce_or3A = arith.constant 1.000000e+00 : f32
          %reduce_or3A_294 = arith.constant 0.000000e+00 : f32
          %reduce_or3A_295 = vector.broadcast %reduce_or3A : f32 to vector<16xf32>
          %reduce_or3A_296 = vector.broadcast %reduce_or3A_294 : f32 to vector<16xf32>
          %reduce_or3A_297 = arith.select %while3A_292, %reduce_or3A_295, %reduce_or3A_296 : vector<16xi1>, vector<16xf32>
          %reduce_or3A_298 = arith.constant true
          %reduce_or3A_299 = vector.broadcast %reduce_or3A_298 : i1 to vector<16xi1>
          %reduce_or3A_300 = tpu.scan <max>, %reduce_or3A_297 masked %reduce_or3A_299 : vector<16xf32>, vector<16xi1> -> vector<16xf32>
          %reduce_or3A_301 = vector.extract %reduce_or3A_300[15] : f32 from vector<16xf32>
          %reduce_or3A_302 = arith.constant 0.000000e+00 : f32
          %reduce_or3A_303 = arith.cmpf ogt, %reduce_or3A_301, %reduce_or3A_302 : f32
          scf.condition(%reduce_or3A_303) %while3A_292, %while3A_293 : vector<16xi1>, i32
        } do {
        ^bb0(%while3A_292: vector<16xi1>, %while3A_293: i32):
          %all_reduce_ffs3A = tpu.all_reduce %while3A_292 {dim = 0 : i64, kind = #tpu.reduction_kind<find_first_set>} : vector<16xi1> -> vector<16xi32>
          %slice3A = vector.extract_strided_slice %all_reduce_ffs3A {offsets = [0], sizes = [1], strides = [1]} : vector<16xi32> to vector<1xi32>
          %squeeze3A = vector.extract %slice3A[0] : i32 from vector<1xi32>
          %mul3A_294 = arith.constant 16 : i32
          %mul3A_295 = arith.muli %while3A_273, %mul3A_294 : i32
          %add3A_296 = arith.addi %mul3A_295, %squeeze3A : i32
          %broadcast_in_dim3A = vector.broadcast %add3A_296 : i32 to vector<16xi32>
          %gather3A = tpu.vector_load_idx %arg7[%broadcast_in_dim3A] : memref<2064xi32, #tpu.memory_space<vmem>>[vector<16xi32>], vector<16xi32>,
          %slice3A_297 = vector.extract_strided_slice %gather3A {offsets = [0], sizes = [1], strides = [1]} : vector<16xi32> to vector<1xi32>
          %squeeze3A_298 = vector.extract %slice3A_297[0] : i32 from vector<1xi32>
          %gather3A_299 = tpu.vector_load_idx %arg8[%broadcast_in_dim3A] : memref<2064xi32, #tpu.memory_space<vmem>>[vector<16xi32>], vector<16xi32>,
          %slice3A_300 = vector.extract_strided_slice %gather3A_299 {offsets = [0], sizes = [1], strides = [1]} : vector<16xi32> to vector<1xi32>
          %squeeze3A_301 = vector.extract %slice3A_300[0] : i32 from vector<1xi32>
          %mul3A_302 = arith.constant 128 : i32
          %mul3A_303 = arith.muli %min3A_221, %mul3A_302 : i32
          %sub3A_304 = arith.subi %squeeze3A_298, %mul3A_303 : i32
          %broadcast_in_dim3A_305 = vector.broadcast %sub3A_304 : i32 to vector<16xi32>
          %ge3A_306 = arith.constant 32 : i32
          %ge3A_307 = arith.cmpi sge, %while3A_293, %ge3A_306 : i32
          %convert_element_type3A_308 = arith.extui %ge3A_307 : i1 to i32
          %cond3A_309 = arith.constant 0 : i32
          %cond3A_310 = arith.cmpi ne, %convert_element_type3A_308, %cond3A_309 : i32
          %cond3A_311 = scf.if %cond3A_310 -> (i32) {
            %dma_wait3A_358 = arith.constant 0 : i32
            %dma_wait3A_359 = tpu.memref_slice %arg11[%dma_wait3A_358] : memref<4096xf32, #tpu.memory_space<vmem>> -> memref<2048xf32, #tpu.memory_space<vmem>>
            %dma_wait3A_360 = arith.constant 0 : i32
            %dma_wait3A_361 = tpu.memref_slice %arg4[%dma_wait3A_360] : memref<1048576xf32, #tpu.memory_space<hbm>> -> memref<2048xf32, #tpu.memory_space<hbm>>
            %dma_wait3A_362 = arith.constant 0 : i32
            %dma_wait3A_363 = tpu.memref_slice %arg11[%dma_wait3A_362] : memref<4096xf32, #tpu.memory_space<vmem>> -> memref<2048xf32, #tpu.memory_space<vmem>>
            %dma_wait3A_364 = arith.constant 0 : i32
            %dma_wait3A_365 = tpu.memref_slice %arg4[%dma_wait3A_364] : memref<1048576xf32, #tpu.memory_space<hbm>> -> memref<2048xf32, #tpu.memory_space<hbm>>
            tpu.wait_dma2 semaphore(%arg14 : memref<!tpu.dma_semaphore, #tpu.memory_space<semaphore_mem>>) src(%dma_wait3A_365 : memref<2048xf32, #tpu.memory_space<hbm>>) dst(%dma_wait3A_363 : memref<2048xf32, #tpu.memory_space<vmem>>)
            %cond3A_366 = arith.constant 0 : i32
            scf.yield %cond3A_366 : i32
          } else {
            scf.yield %while3A_293 : i32
          }
          %mul3A_312 = arith.constant 128 : i32
          %mul3A_313 = arith.muli %cond3A_311, %mul3A_312 : i32
          %multiple_of3A_314 = tpu.assume_multiple %mul3A_313, 8 : i32
          %add3A_315 = arith.constant 0 : i32
          %add3A_316 = vector.broadcast %add3A_315 : i32 to vector<16xi32>
          %add3A_317 = arith.addi %add3A_316, %iota3A : vector<16xi32>
          %gather3A_318 = tpu.vector_load_idx %arg9[%add3A_317, %broadcast_in_dim3A_305] : memref<64x896xf32, #tpu.memory_space<vmem>>[vector<16xi32>, vector<16xi32>], vector<16xf32>,
          %add3A_319 = arith.constant 0 : i32
          %add3A_320 = arith.addi %multiple_of3A_314, %add3A_319 : i32
          %swap3A = arith.index_cast %add3A_320 : i32 to index
          %swap3A_321 = tpu.vector_load %arg11[%swap3A] {strides = array<i32>} : memref<4096xf32, #tpu.memory_space<vmem>>, vector<16xf32>,
          tpu.vector_store %arg11[%swap3A], %gather3A_318 {strides = array<i32>} : memref<4096xf32, #tpu.memory_space<vmem>>, vector<16xf32>,
          %add3A_322 = arith.constant 16 : i32
          %add3A_323 = vector.broadcast %add3A_322 : i32 to vector<16xi32>
          %add3A_324 = arith.addi %add3A_323, %iota3A : vector<16xi32>
          %gather3A_325 = tpu.vector_load_idx %arg9[%add3A_324, %broadcast_in_dim3A_305] : memref<64x896xf32, #tpu.memory_space<vmem>>[vector<16xi32>, vector<16xi32>], vector<16xf32>,
          %add3A_326 = arith.constant 16 : i32
          %add3A_327 = arith.addi %multiple_of3A_314, %add3A_326 : i32
          %swap3A_328 = arith.index_cast %add3A_327 : i32 to index
          %swap3A_329 = tpu.vector_load %arg11[%swap3A_328] {strides = array<i32>} : memref<4096xf32, #tpu.memory_space<vmem>>, vector<16xf32>,
          tpu.vector_store %arg11[%swap3A_328], %gather3A_325 {strides = array<i32>} : memref<4096xf32, #tpu.memory_space<vmem>>, vector<16xf32>,
          %add3A_330 = arith.constant 32 : i32
          %add3A_331 = vector.broadcast %add3A_330 : i32 to vector<16xi32>
          %add3A_332 = arith.addi %add3A_331, %iota3A : vector<16xi32>
          %gather3A_333 = tpu.vector_load_idx %arg9[%add3A_332, %broadcast_in_dim3A_305] : memref<64x896xf32, #tpu.memory_space<vmem>>[vector<16xi32>, vector<16xi32>], vector<16xf32>,
          %add3A_334 = arith.constant 32 : i32
          %add3A_335 = arith.addi %multiple_of3A_314, %add3A_334 : i32
          %swap3A_336 = arith.index_cast %add3A_335 : i32 to index
          %swap3A_337 = tpu.vector_load %arg11[%swap3A_336] {strides = array<i32>} : memref<4096xf32, #tpu.memory_space<vmem>>, vector<16xf32>,
          tpu.vector_store %arg11[%swap3A_336], %gather3A_333 {strides = array<i32>} : memref<4096xf32, #tpu.memory_space<vmem>>, vector<16xf32>,
          %add3A_338 = arith.constant 48 : i32
          %add3A_339 = vector.broadcast %add3A_338 : i32 to vector<16xi32>
          %add3A_340 = arith.addi %add3A_339, %iota3A : vector<16xi32>
          %gather3A_341 = tpu.vector_load_idx %arg9[%add3A_340, %broadcast_in_dim3A_305] : memref<64x896xf32, #tpu.memory_space<vmem>>[vector<16xi32>, vector<16xi32>], vector<16xf32>,
          %add3A_342 = arith.constant 48 : i32
          %add3A_343 = arith.addi %multiple_of3A_314, %add3A_342 : i32
          %swap3A_344 = arith.index_cast %add3A_343 : i32 to index
          %swap3A_345 = tpu.vector_load %arg11[%swap3A_344] {strides = array<i32>} : memref<4096xf32, #tpu.memory_space<vmem>>, vector<16xf32>,
          tpu.vector_store %arg11[%swap3A_344], %gather3A_341 {strides = array<i32>} : memref<4096xf32, #tpu.memory_space<vmem>>, vector<16xf32>,
          %mul3A_346 = arith.constant 64 : i32
          %mul3A_347 = arith.muli %squeeze3A_301, %mul3A_346 : i32
          %multiple_of3A_348 = tpu.assume_multiple %mul3A_347, 8 : i32
          %dma_start3A_349 = tpu.memref_slice %arg11[%multiple_of3A_314] : memref<4096xf32, #tpu.memory_space<vmem>> -> memref<64xf32, #tpu.memory_space<vmem>>
          %dma_start3A_350 = tpu.memref_slice %arg4[%multiple_of3A_348] : memref<1048576xf32, #tpu.memory_space<hbm>> -> memref<64xf32, #tpu.memory_space<hbm>>
          %dma_start3A_351 = tpu.memref_slice %arg4[%multiple_of3A_348] : memref<1048576xf32, #tpu.memory_space<hbm>> -> memref<64xf32, #tpu.memory_space<hbm>>
          %dma_start3A_352 = tpu.memref_slice %arg11[%multiple_of3A_314] : memref<4096xf32, #tpu.memory_space<vmem>> -> memref<64xf32, #tpu.memory_space<vmem>>
          tpu.enqueue_dma source(%dma_start3A_352 : memref<64xf32, #tpu.memory_space<vmem>>) target(%dma_start3A_351 : memref<64xf32, #tpu.memory_space<hbm>>) target_semaphore(%arg14 : memref<!tpu.dma_semaphore, #tpu.memory_space<semaphore_mem>>)
          %ne3A_353 = vector.broadcast %squeeze3A : i32 to vector<16xi32>
          %ne3A_354 = arith.cmpi ne, %iota3A, %ne3A_353 : vector<16xi32>
          %and3A_355 = arith.andi %while3A_292, %ne3A_354 : vector<16xi1>
          %add3A_356 = arith.constant 1 : i32
          %add3A_357 = arith.addi %cond3A_311, %add3A_356 : i32
          scf.yield %and3A_355, %add3A_357 : vector<16xi1>, i32
        }
        scf.yield %while3A_291#1 : i32
      }
      %while3A_263 = arith.constant 1 : i32
      %while3A_264 = scf.for %while3A_273 = %while3A_260 to %while3A_256 step %while3A_263 iter_args(%while3A_274 = %while3A_262) -> (i32)  : i32 {
        %mul3A_275 = arith.constant 16 : i32
        %mul3A_276 = arith.muli %while3A_273, %mul3A_275 : i32
        %get3A = arith.index_cast %mul3A_276 : i32 to index
        %get3A_277 = tpu.vector_load %arg7[%get3A] {strides = array<i32>} : memref<2064xi32, #tpu.memory_space<vmem>>, vector<16xi32>,
        %shift_right_arithmetic3A = arith.constant 7 : i32
        %shift_right_arithmetic3A_278 = vector.broadcast %shift_right_arithmetic3A : i32 to vector<16xi32>
        %shift_right_arithmetic3A_279 = arith.shrsi %get3A_277, %shift_right_arithmetic3A_278 : vector<16xi32>
        %mul3A_280 = arith.constant 16 : i32
        %mul3A_281 = arith.muli %while3A_273, %mul3A_280 : i32
        %add3A_282 = vector.broadcast %mul3A_281 : i32 to vector<16xi32>
        %add3A_283 = arith.addi %add3A_282, %iota3A : vector<16xi32>
        %lt3A_284 = vector.broadcast %scan3A_156 : i32 to vector<16xi32>
        %lt3A_285 = arith.cmpi slt, %add3A_283, %lt3A_284 : vector<16xi32>
        %ge3A = vector.broadcast %add3A_224 : i32 to vector<16xi32>
        %ge3A_286 = arith.cmpi sge, %shift_right_arithmetic3A_279, %ge3A : vector<16xi32>
        %and3A_287 = arith.andi %lt3A_285, %ge3A_286 : vector<16xi1>
        %lt3A_288 = vector.broadcast %min3A_227 : i32 to vector<16xi32>
        %lt3A_289 = arith.cmpi slt, %shift_right_arithmetic3A_279, %lt3A_288 : vector<16xi32>
        %and3A_290 = arith.andi %and3A_287, %lt3A_289 : vector<16xi1>
        %while3A_291:2 = scf.while (%while3A_292 = %and3A_290, %while3A_293 = %while3A_274) : (vector<16xi1>, i32) -> (vector<16xi1>, i32) {
          %reduce_or3A = arith.constant 1.000000e+00 : f32
          %reduce_or3A_294 = arith.constant 0.000000e+00 : f32
          %reduce_or3A_295 = vector.broadcast %reduce_or3A : f32 to vector<16xf32>
          %reduce_or3A_296 = vector.broadcast %reduce_or3A_294 : f32 to vector<16xf32>
          %reduce_or3A_297 = arith.select %while3A_292, %reduce_or3A_295, %reduce_or3A_296 : vector<16xi1>, vector<16xf32>
          %reduce_or3A_298 = arith.constant true
          %reduce_or3A_299 = vector.broadcast %reduce_or3A_298 : i1 to vector<16xi1>
          %reduce_or3A_300 = tpu.scan <max>, %reduce_or3A_297 masked %reduce_or3A_299 : vector<16xf32>, vector<16xi1> -> vector<16xf32>
          %reduce_or3A_301 = vector.extract %reduce_or3A_300[15] : f32 from vector<16xf32>
          %reduce_or3A_302 = arith.constant 0.000000e+00 : f32
          %reduce_or3A_303 = arith.cmpf ogt, %reduce_or3A_301, %reduce_or3A_302 : f32
          scf.condition(%reduce_or3A_303) %while3A_292, %while3A_293 : vector<16xi1>, i32
        } do {
        ^bb0(%while3A_292: vector<16xi1>, %while3A_293: i32):
          %all_reduce_ffs3A = tpu.all_reduce %while3A_292 {dim = 0 : i64, kind = #tpu.reduction_kind<find_first_set>} : vector<16xi1> -> vector<16xi32>
          %slice3A = vector.extract_strided_slice %all_reduce_ffs3A {offsets = [0], sizes = [1], strides = [1]} : vector<16xi32> to vector<1xi32>
          %squeeze3A = vector.extract %slice3A[0] : i32 from vector<1xi32>
          %mul3A_294 = arith.constant 16 : i32
          %mul3A_295 = arith.muli %while3A_273, %mul3A_294 : i32
          %add3A_296 = arith.addi %mul3A_295, %squeeze3A : i32
          %broadcast_in_dim3A = vector.broadcast %add3A_296 : i32 to vector<16xi32>
          %gather3A = tpu.vector_load_idx %arg7[%broadcast_in_dim3A] : memref<2064xi32, #tpu.memory_space<vmem>>[vector<16xi32>], vector<16xi32>,
          %slice3A_297 = vector.extract_strided_slice %gather3A {offsets = [0], sizes = [1], strides = [1]} : vector<16xi32> to vector<1xi32>
          %squeeze3A_298 = vector.extract %slice3A_297[0] : i32 from vector<1xi32>
          %gather3A_299 = tpu.vector_load_idx %arg8[%broadcast_in_dim3A] : memref<2064xi32, #tpu.memory_space<vmem>>[vector<16xi32>], vector<16xi32>,
          %slice3A_300 = vector.extract_strided_slice %gather3A_299 {offsets = [0], sizes = [1], strides = [1]} : vector<16xi32> to vector<1xi32>
          %squeeze3A_301 = vector.extract %slice3A_300[0] : i32 from vector<1xi32>
          %mul3A_302 = arith.constant 128 : i32
          %mul3A_303 = arith.muli %min3A_221, %mul3A_302 : i32
          %sub3A_304 = arith.subi %squeeze3A_298, %mul3A_303 : i32
          %broadcast_in_dim3A_305 = vector.broadcast %sub3A_304 : i32 to vector<16xi32>
          %ge3A_306 = arith.constant 32 : i32
          %ge3A_307 = arith.cmpi sge, %while3A_293, %ge3A_306 : i32
          %convert_element_type3A_308 = arith.extui %ge3A_307 : i1 to i32
          %cond3A_309 = arith.constant 0 : i32
          %cond3A_310 = arith.cmpi ne, %convert_element_type3A_308, %cond3A_309 : i32
          %cond3A_311 = scf.if %cond3A_310 -> (i32) {
            %dma_wait3A_358 = arith.constant 0 : i32
            %dma_wait3A_359 = tpu.memref_slice %arg11[%dma_wait3A_358] : memref<4096xf32, #tpu.memory_space<vmem>> -> memref<2048xf32, #tpu.memory_space<vmem>>
            %dma_wait3A_360 = arith.constant 0 : i32
            %dma_wait3A_361 = tpu.memref_slice %arg4[%dma_wait3A_360] : memref<1048576xf32, #tpu.memory_space<hbm>> -> memref<2048xf32, #tpu.memory_space<hbm>>
            %dma_wait3A_362 = arith.constant 0 : i32
            %dma_wait3A_363 = tpu.memref_slice %arg11[%dma_wait3A_362] : memref<4096xf32, #tpu.memory_space<vmem>> -> memref<2048xf32, #tpu.memory_space<vmem>>
            %dma_wait3A_364 = arith.constant 0 : i32
            %dma_wait3A_365 = tpu.memref_slice %arg4[%dma_wait3A_364] : memref<1048576xf32, #tpu.memory_space<hbm>> -> memref<2048xf32, #tpu.memory_space<hbm>>
            tpu.wait_dma2 semaphore(%arg14 : memref<!tpu.dma_semaphore, #tpu.memory_space<semaphore_mem>>) src(%dma_wait3A_365 : memref<2048xf32, #tpu.memory_space<hbm>>) dst(%dma_wait3A_363 : memref<2048xf32, #tpu.memory_space<vmem>>)
            %cond3A_366 = arith.constant 0 : i32
            scf.yield %cond3A_366 : i32
          } else {
            scf.yield %while3A_293 : i32
          }
          %mul3A_312 = arith.constant 128 : i32
          %mul3A_313 = arith.muli %cond3A_311, %mul3A_312 : i32
          %multiple_of3A_314 = tpu.assume_multiple %mul3A_313, 8 : i32
          %add3A_315 = arith.constant 0 : i32
          %add3A_316 = vector.broadcast %add3A_315 : i32 to vector<16xi32>
          %add3A_317 = arith.addi %add3A_316, %iota3A : vector<16xi32>
          %gather3A_318 = tpu.vector_load_idx %arg9[%add3A_317, %broadcast_in_dim3A_305] : memref<64x896xf32, #tpu.memory_space<vmem>>[vector<16xi32>, vector<16xi32>], vector<16xf32>,
          %add3A_319 = arith.constant 0 : i32
          %add3A_320 = arith.addi %multiple_of3A_314, %add3A_319 : i32
          %swap3A = arith.index_cast %add3A_320 : i32 to index
          %swap3A_321 = tpu.vector_load %arg11[%swap3A] {strides = array<i32>} : memref<4096xf32, #tpu.memory_space<vmem>>, vector<16xf32>,
          tpu.vector_store %arg11[%swap3A], %gather3A_318 {strides = array<i32>} : memref<4096xf32, #tpu.memory_space<vmem>>, vector<16xf32>,
          %add3A_322 = arith.constant 16 : i32
          %add3A_323 = vector.broadcast %add3A_322 : i32 to vector<16xi32>
          %add3A_324 = arith.addi %add3A_323, %iota3A : vector<16xi32>
          %gather3A_325 = tpu.vector_load_idx %arg9[%add3A_324, %broadcast_in_dim3A_305] : memref<64x896xf32, #tpu.memory_space<vmem>>[vector<16xi32>, vector<16xi32>], vector<16xf32>,
          %add3A_326 = arith.constant 16 : i32
          %add3A_327 = arith.addi %multiple_of3A_314, %add3A_326 : i32
          %swap3A_328 = arith.index_cast %add3A_327 : i32 to index
          %swap3A_329 = tpu.vector_load %arg11[%swap3A_328] {strides = array<i32>} : memref<4096xf32, #tpu.memory_space<vmem>>, vector<16xf32>,
          tpu.vector_store %arg11[%swap3A_328], %gather3A_325 {strides = array<i32>} : memref<4096xf32, #tpu.memory_space<vmem>>, vector<16xf32>,
          %add3A_330 = arith.constant 32 : i32
          %add3A_331 = vector.broadcast %add3A_330 : i32 to vector<16xi32>
          %add3A_332 = arith.addi %add3A_331, %iota3A : vector<16xi32>
          %gather3A_333 = tpu.vector_load_idx %arg9[%add3A_332, %broadcast_in_dim3A_305] : memref<64x896xf32, #tpu.memory_space<vmem>>[vector<16xi32>, vector<16xi32>], vector<16xf32>,
          %add3A_334 = arith.constant 32 : i32
          %add3A_335 = arith.addi %multiple_of3A_314, %add3A_334 : i32
          %swap3A_336 = arith.index_cast %add3A_335 : i32 to index
          %swap3A_337 = tpu.vector_load %arg11[%swap3A_336] {strides = array<i32>} : memref<4096xf32, #tpu.memory_space<vmem>>, vector<16xf32>,
          tpu.vector_store %arg11[%swap3A_336], %gather3A_333 {strides = array<i32>} : memref<4096xf32, #tpu.memory_space<vmem>>, vector<16xf32>,
          %add3A_338 = arith.constant 48 : i32
          %add3A_339 = vector.broadcast %add3A_338 : i32 to vector<16xi32>
          %add3A_340 = arith.addi %add3A_339, %iota3A : vector<16xi32>
          %gather3A_341 = tpu.vector_load_idx %arg9[%add3A_340, %broadcast_in_dim3A_305] : memref<64x896xf32, #tpu.memory_space<vmem>>[vector<16xi32>, vector<16xi32>], vector<16xf32>,
          %add3A_342 = arith.constant 48 : i32
          %add3A_343 = arith.addi %multiple_of3A_314, %add3A_342 : i32
          %swap3A_344 = arith.index_cast %add3A_343 : i32 to index
          %swap3A_345 = tpu.vector_load %arg11[%swap3A_344] {strides = array<i32>} : memref<4096xf32, #tpu.memory_space<vmem>>, vector<16xf32>,
          tpu.vector_store %arg11[%swap3A_344], %gather3A_341 {strides = array<i32>} : memref<4096xf32, #tpu.memory_space<vmem>>, vector<16xf32>,
          %mul3A_346 = arith.constant 64 : i32
          %mul3A_347 = arith.muli %squeeze3A_301, %mul3A_346 : i32
          %multiple_of3A_348 = tpu.assume_multiple %mul3A_347, 8 : i32
          %dma_start3A_349 = tpu.memref_slice %arg11[%multiple_of3A_314] : memref<4096xf32, #tpu.memory_space<vmem>> -> memref<64xf32, #tpu.memory_space<vmem>>
          %dma_start3A_350 = tpu.memref_slice %arg4[%multiple_of3A_348] : memref<1048576xf32, #tpu.memory_space<hbm>> -> memref<64xf32, #tpu.memory_space<hbm>>
          %dma_start3A_351 = tpu.memref_slice %arg4[%multiple_of3A_348] : memref<1048576xf32, #tpu.memory_space<hbm>> -> memref<64xf32, #tpu.memory_space<hbm>>
          %dma_start3A_352 = tpu.memref_slice %arg11[%multiple_of3A_314] : memref<4096xf32, #tpu.memory_space<vmem>> -> memref<64xf32, #tpu.memory_space<vmem>>
          tpu.enqueue_dma source(%dma_start3A_352 : memref<64xf32, #tpu.memory_space<vmem>>) target(%dma_start3A_351 : memref<64xf32, #tpu.memory_space<hbm>>) target_semaphore(%arg14 : memref<!tpu.dma_semaphore, #tpu.memory_space<semaphore_mem>>)
          %ne3A_353 = vector.broadcast %squeeze3A : i32 to vector<16xi32>
          %ne3A_354 = arith.cmpi ne, %iota3A, %ne3A_353 : vector<16xi32>
          %and3A_355 = arith.andi %while3A_292, %ne3A_354 : vector<16xi1>
          %add3A_356 = arith.constant 1 : i32
          %add3A_357 = arith.addi %cond3A_311, %add3A_356 : i32
          scf.yield %and3A_355, %add3A_357 : vector<16xi1>, i32
        }
        scf.yield %while3A_291#1 : i32
      }
      %add3A_265 = arith.constant 2 : i32
      %add3A_266 = arith.addi %mul3A_208, %add3A_265 : i32
      %lt3A = arith.cmpi slt, %add3A_266, %select_n3A : i32
      %convert_element_type3A = arith.extui %lt3A : i1 to i32
      %cond3A = arith.constant 0 : i32
      %cond3A_267 = arith.cmpi ne, %convert_element_type3A, %cond3A : i32
      scf.if %cond3A_267 {
        %add3A_273 = arith.constant 2 : i32
        %add3A_274 = arith.addi %mul3A_208, %add3A_273 : i32
        %mul3A_275 = arith.constant 7 : i32
        %mul3A_276 = arith.muli %mul3A_275, %add3A_274 : i32
        %add3A_277 = arith.addi %mul3A_2, %mul3A_276 : i32
        %min3A_278 = arith.constant 7806 : i32
        %min3A_279 = arith.minsi %add3A_277, %min3A_278 : i32
        %mul3A_280 = arith.constant 128 : i32
        %mul3A_281 = arith.muli %min3A_279, %mul3A_280 : i32
        %multiple_of3A_282 = tpu.assume_multiple %mul3A_281, 128 : i32
        %dma_start3A_283 = arith.constant 0 : i32
        %dma_start3A_284 = tpu.memref_slice %arg3[%dma_start3A_283, %multiple_of3A_282] : memref<64x1000000xf32, #tpu.memory_space<hbm>> -> memref<64x896xf32, #tpu.memory_space<hbm>>
        %dma_start3A_285 = arith.constant 0 : i32
        %dma_start3A_286 = tpu.memref_slice %arg3[%dma_start3A_285, %multiple_of3A_282] : memref<64x1000000xf32, #tpu.memory_space<hbm>> -> memref<64x896xf32, #tpu.memory_space<hbm>>
        tpu.enqueue_dma source(%dma_start3A_286 : memref<64x896xf32, #tpu.memory_space<hbm>>) target(%arg9 : memref<64x896xf32, #tpu.memory_space<vmem>>) target_semaphore(%arg12 : memref<!tpu.dma_semaphore, #tpu.memory_space<semaphore_mem>>)
      } else {
      }
      %lt3A_268 = arith.cmpi slt, %add3A_210, %select_n3A : i32
      %convert_element_type3A_269 = arith.extui %lt3A_268 : i1 to i32
      %cond3A_270 = arith.constant 0 : i32
      %cond3A_271 = arith.cmpi ne, %convert_element_type3A_269, %cond3A_270 : i32
      %cond3A_272 = scf.if %cond3A_271 -> (i32) {
        %dma_wait3A_273 = arith.constant 0 : i32
        %dma_wait3A_274 = arith.constant 0 : i32
        %dma_wait3A_275 = tpu.memref_slice %arg3[%dma_wait3A_273, %dma_wait3A_274] : memref<64x1000000xf32, #tpu.memory_space<hbm>> -> memref<64x896xf32, #tpu.memory_space<hbm>>
        %dma_wait3A_276 = arith.constant 0 : i32
        %dma_wait3A_277 = arith.constant 0 : i32
        %dma_wait3A_278 = tpu.memref_slice %arg3[%dma_wait3A_276, %dma_wait3A_277] : memref<64x1000000xf32, #tpu.memory_space<hbm>> -> memref<64x896xf32, #tpu.memory_space<hbm>>
        tpu.wait_dma2 semaphore(%arg13 : memref<!tpu.dma_semaphore, #tpu.memory_space<semaphore_mem>>) src(%dma_wait3A_278 : memref<64x896xf32, #tpu.memory_space<hbm>>) dst(%arg10 : memref<64x896xf32, #tpu.memory_space<vmem>>)
        %mul3A_279 = arith.constant 7 : i32
        %mul3A_280 = arith.muli %mul3A_279, %add3A_210 : i32
        %add3A_281 = arith.addi %mul3A_2, %mul3A_280 : i32
        %min3A_282 = arith.constant 7806 : i32
        %min3A_283 = arith.minsi %add3A_281, %min3A_282 : i32
        %mul3A_284 = arith.constant 7 : i32
        %mul3A_285 = arith.muli %mul3A_284, %add3A_210 : i32
        %add3A_286 = arith.addi %mul3A_2, %mul3A_285 : i32
        %add3A_287 = arith.constant 7 : i32
        %add3A_288 = arith.addi %add3A_286, %add3A_287 : i32
        %min3A_289 = arith.minsi %add3A_288, %min3A_5 : i32
        %add3A_290 = arith.constant 15 : i32
        %add3A_291 = arith.addi %scan3A_156, %add3A_290 : i32
        %jit3A_292 = arith.constant 16 : i32
        %div3A_293 = arith.divsi %add3A_291, %jit3A_292 : i32
        %sign3A_294 = arith.constant 0 : i32
        %sign3A_295 = arith.cmpi sgt, %add3A_291, %sign3A_294 : i32
        %sign3A_296 = arith.extui %sign3A_295 : i1 to i32
        %sign3A_297 = arith.constant 0 : i32
        %sign3A_298 = arith.cmpi slt, %add3A_291, %sign3A_297 : i32
        %sign3A_299 = arith.extui %sign3A_298 : i1 to i32
        %sign3A_300 = arith.subi %sign3A_296, %sign3A_299 : i32
        %sign3A_301 = arith.constant 0 : i32
        %sign3A_302 = arith.cmpi sgt, %jit3A_292, %sign3A_301 : i32
        %sign3A_303 = arith.extui %sign3A_302 : i1 to i32
        %sign3A_304 = arith.constant 0 : i32
        %sign3A_305 = arith.cmpi slt, %jit3A_292, %sign3A_304 : i32
        %sign3A_306 = arith.extui %sign3A_305 : i1 to i32
        %sign3A_307 = arith.subi %sign3A_303, %sign3A_306 : i32
        %ne3A_308 = arith.cmpi ne, %sign3A_300, %sign3A_307 : i32
        %rem3A_309 = arith.remsi %add3A_291, %jit3A_292 : i32
        %ne3A_310 = arith.constant 0 : i32
        %ne3A_311 = arith.cmpi ne, %rem3A_309, %ne3A_310 : i32
        %and3A_312 = arith.andi %ne3A_308, %ne3A_311 : i1
        %sub3A_313 = arith.constant 1 : i32
        %sub3A_314 = arith.subi %div3A_293, %sub3A_313 : i32
        %select_n3A_315 = arith.select %and3A_312, %sub3A_314, %div3A_293 : i32
        %while3A_316 = arith.constant 0 : i32
        %while3A_317 = arith.subi %select_n3A_315, %while3A_316 : i32
        %while3A_318 = arith.addi %while3A_316, %while3A_317 : i32
        %while3A_319 = arith.constant 1 : i32
        %while3A_320 = arith.divsi %while3A_317, %while3A_319 : i32
        %while3A_321 = arith.muli %while3A_320, %while3A_319 : i32
        %while3A_322 = arith.addi %while3A_316, %while3A_321 : i32
        %while3A_323 = arith.constant 1 : i32
        %while3A_324 = scf.for %while3A_333 = %while3A_316 to %while3A_322 step %while3A_323 iter_args(%while3A_334 = %while3A_264) -> (i32)  : i32 {
          %mul3A_335 = arith.constant 16 : i32
          %mul3A_336 = arith.muli %while3A_333, %mul3A_335 : i32
          %get3A = arith.index_cast %mul3A_336 : i32 to index
          %get3A_337 = tpu.vector_load %arg7[%get3A] {strides = array<i32>} : memref<2064xi32, #tpu.memory_space<vmem>>, vector<16xi32>,
          %shift_right_arithmetic3A = arith.constant 7 : i32
          %shift_right_arithmetic3A_338 = vector.broadcast %shift_right_arithmetic3A : i32 to vector<16xi32>
          %shift_right_arithmetic3A_339 = arith.shrsi %get3A_337, %shift_right_arithmetic3A_338 : vector<16xi32>
          %mul3A_340 = arith.constant 16 : i32
          %mul3A_341 = arith.muli %while3A_333, %mul3A_340 : i32
          %add3A_342 = vector.broadcast %mul3A_341 : i32 to vector<16xi32>
          %add3A_343 = arith.addi %add3A_342, %iota3A : vector<16xi32>
          %lt3A_344 = vector.broadcast %scan3A_156 : i32 to vector<16xi32>
          %lt3A_345 = arith.cmpi slt, %add3A_343, %lt3A_344 : vector<16xi32>
          %ge3A = vector.broadcast %add3A_286 : i32 to vector<16xi32>
          %ge3A_346 = arith.cmpi sge, %shift_right_arithmetic3A_339, %ge3A : vector<16xi32>
          %and3A_347 = arith.andi %lt3A_345, %ge3A_346 : vector<16xi1>
          %lt3A_348 = vector.broadcast %min3A_289 : i32 to vector<16xi32>
          %lt3A_349 = arith.cmpi slt, %shift_right_arithmetic3A_339, %lt3A_348 : vector<16xi32>
          %and3A_350 = arith.andi %and3A_347, %lt3A_349 : vector<16xi1>
          %while3A_351:2 = scf.while (%while3A_352 = %and3A_350, %while3A_353 = %while3A_334) : (vector<16xi1>, i32) -> (vector<16xi1>, i32) {
            %reduce_or3A = arith.constant 1.000000e+00 : f32
            %reduce_or3A_354 = arith.constant 0.000000e+00 : f32
            %reduce_or3A_355 = vector.broadcast %reduce_or3A : f32 to vector<16xf32>
            %reduce_or3A_356 = vector.broadcast %reduce_or3A_354 : f32 to vector<16xf32>
            %reduce_or3A_357 = arith.select %while3A_352, %reduce_or3A_355, %reduce_or3A_356 : vector<16xi1>, vector<16xf32>
            %reduce_or3A_358 = arith.constant true
            %reduce_or3A_359 = vector.broadcast %reduce_or3A_358 : i1 to vector<16xi1>
            %reduce_or3A_360 = tpu.scan <max>, %reduce_or3A_357 masked %reduce_or3A_359 : vector<16xf32>, vector<16xi1> -> vector<16xf32>
            %reduce_or3A_361 = vector.extract %reduce_or3A_360[15] : f32 from vector<16xf32>
            %reduce_or3A_362 = arith.constant 0.000000e+00 : f32
            %reduce_or3A_363 = arith.cmpf ogt, %reduce_or3A_361, %reduce_or3A_362 : f32
            scf.condition(%reduce_or3A_363) %while3A_352, %while3A_353 : vector<16xi1>, i32
          } do {
          ^bb0(%while3A_352: vector<16xi1>, %while3A_353: i32):
            %all_reduce_ffs3A = tpu.all_reduce %while3A_352 {dim = 0 : i64, kind = #tpu.reduction_kind<find_first_set>} : vector<16xi1> -> vector<16xi32>
            %slice3A = vector.extract_strided_slice %all_reduce_ffs3A {offsets = [0], sizes = [1], strides = [1]} : vector<16xi32> to vector<1xi32>
            %squeeze3A = vector.extract %slice3A[0] : i32 from vector<1xi32>
            %mul3A_354 = arith.constant 16 : i32
            %mul3A_355 = arith.muli %while3A_333, %mul3A_354 : i32
            %add3A_356 = arith.addi %mul3A_355, %squeeze3A : i32
            %broadcast_in_dim3A = vector.broadcast %add3A_356 : i32 to vector<16xi32>
            %gather3A = tpu.vector_load_idx %arg7[%broadcast_in_dim3A] : memref<2064xi32, #tpu.memory_space<vmem>>[vector<16xi32>], vector<16xi32>,
            %slice3A_357 = vector.extract_strided_slice %gather3A {offsets = [0], sizes = [1], strides = [1]} : vector<16xi32> to vector<1xi32>
            %squeeze3A_358 = vector.extract %slice3A_357[0] : i32 from vector<1xi32>
            %gather3A_359 = tpu.vector_load_idx %arg8[%broadcast_in_dim3A] : memref<2064xi32, #tpu.memory_space<vmem>>[vector<16xi32>], vector<16xi32>,
            %slice3A_360 = vector.extract_strided_slice %gather3A_359 {offsets = [0], sizes = [1], strides = [1]} : vector<16xi32> to vector<1xi32>
            %squeeze3A_361 = vector.extract %slice3A_360[0] : i32 from vector<1xi32>
            %mul3A_362 = arith.constant 128 : i32
            %mul3A_363 = arith.muli %min3A_283, %mul3A_362 : i32
            %sub3A_364 = arith.subi %squeeze3A_358, %mul3A_363 : i32
            %broadcast_in_dim3A_365 = vector.broadcast %sub3A_364 : i32 to vector<16xi32>
            %ge3A_366 = arith.constant 32 : i32
            %ge3A_367 = arith.cmpi sge, %while3A_353, %ge3A_366 : i32
            %convert_element_type3A_368 = arith.extui %ge3A_367 : i1 to i32
            %cond3A_369 = arith.constant 0 : i32
            %cond3A_370 = arith.cmpi ne, %convert_element_type3A_368, %cond3A_369 : i32
            %cond3A_371 = scf.if %cond3A_370 -> (i32) {
              %dma_wait3A_418 = arith.constant 0 : i32
              %dma_wait3A_419 = tpu.memref_slice %arg11[%dma_wait3A_418] : memref<4096xf32, #tpu.memory_space<vmem>> -> memref<2048xf32, #tpu.memory_space<vmem>>
              %dma_wait3A_420 = arith.constant 0 : i32
              %dma_wait3A_421 = tpu.memref_slice %arg4[%dma_wait3A_420] : memref<1048576xf32, #tpu.memory_space<hbm>> -> memref<2048xf32, #tpu.memory_space<hbm>>
              %dma_wait3A_422 = arith.constant 0 : i32
              %dma_wait3A_423 = tpu.memref_slice %arg11[%dma_wait3A_422] : memref<4096xf32, #tpu.memory_space<vmem>> -> memref<2048xf32, #tpu.memory_space<vmem>>
              %dma_wait3A_424 = arith.constant 0 : i32
              %dma_wait3A_425 = tpu.memref_slice %arg4[%dma_wait3A_424] : memref<1048576xf32, #tpu.memory_space<hbm>> -> memref<2048xf32, #tpu.memory_space<hbm>>
              tpu.wait_dma2 semaphore(%arg14 : memref<!tpu.dma_semaphore, #tpu.memory_space<semaphore_mem>>) src(%dma_wait3A_425 : memref<2048xf32, #tpu.memory_space<hbm>>) dst(%dma_wait3A_423 : memref<2048xf32, #tpu.memory_space<vmem>>)
              %cond3A_426 = arith.constant 0 : i32
              scf.yield %cond3A_426 : i32
            } else {
              scf.yield %while3A_353 : i32
            }
            %mul3A_372 = arith.constant 128 : i32
            %mul3A_373 = arith.muli %cond3A_371, %mul3A_372 : i32
            %multiple_of3A_374 = tpu.assume_multiple %mul3A_373, 8 : i32
            %add3A_375 = arith.constant 0 : i32
            %add3A_376 = vector.broadcast %add3A_375 : i32 to vector<16xi32>
            %add3A_377 = arith.addi %add3A_376, %iota3A : vector<16xi32>
            %gather3A_378 = tpu.vector_load_idx %arg10[%add3A_377, %broadcast_in_dim3A_365] : memref<64x896xf32, #tpu.memory_space<vmem>>[vector<16xi32>, vector<16xi32>], vector<16xf32>,
            %add3A_379 = arith.constant 0 : i32
            %add3A_380 = arith.addi %multiple_of3A_374, %add3A_379 : i32
            %swap3A = arith.index_cast %add3A_380 : i32 to index
            %swap3A_381 = tpu.vector_load %arg11[%swap3A] {strides = array<i32>} : memref<4096xf32, #tpu.memory_space<vmem>>, vector<16xf32>,
            tpu.vector_store %arg11[%swap3A], %gather3A_378 {strides = array<i32>} : memref<4096xf32, #tpu.memory_space<vmem>>, vector<16xf32>,
            %add3A_382 = arith.constant 16 : i32
            %add3A_383 = vector.broadcast %add3A_382 : i32 to vector<16xi32>
            %add3A_384 = arith.addi %add3A_383, %iota3A : vector<16xi32>
            %gather3A_385 = tpu.vector_load_idx %arg10[%add3A_384, %broadcast_in_dim3A_365] : memref<64x896xf32, #tpu.memory_space<vmem>>[vector<16xi32>, vector<16xi32>], vector<16xf32>,
            %add3A_386 = arith.constant 16 : i32
            %add3A_387 = arith.addi %multiple_of3A_374, %add3A_386 : i32
            %swap3A_388 = arith.index_cast %add3A_387 : i32 to index
            %swap3A_389 = tpu.vector_load %arg11[%swap3A_388] {strides = array<i32>} : memref<4096xf32, #tpu.memory_space<vmem>>, vector<16xf32>,
            tpu.vector_store %arg11[%swap3A_388], %gather3A_385 {strides = array<i32>} : memref<4096xf32, #tpu.memory_space<vmem>>, vector<16xf32>,
            %add3A_390 = arith.constant 32 : i32
            %add3A_391 = vector.broadcast %add3A_390 : i32 to vector<16xi32>
            %add3A_392 = arith.addi %add3A_391, %iota3A : vector<16xi32>
            %gather3A_393 = tpu.vector_load_idx %arg10[%add3A_392, %broadcast_in_dim3A_365] : memref<64x896xf32, #tpu.memory_space<vmem>>[vector<16xi32>, vector<16xi32>], vector<16xf32>,
            %add3A_394 = arith.constant 32 : i32
            %add3A_395 = arith.addi %multiple_of3A_374, %add3A_394 : i32
            %swap3A_396 = arith.index_cast %add3A_395 : i32 to index
            %swap3A_397 = tpu.vector_load %arg11[%swap3A_396] {strides = array<i32>} : memref<4096xf32, #tpu.memory_space<vmem>>, vector<16xf32>,
            tpu.vector_store %arg11[%swap3A_396], %gather3A_393 {strides = array<i32>} : memref<4096xf32, #tpu.memory_space<vmem>>, vector<16xf32>,
            %add3A_398 = arith.constant 48 : i32
            %add3A_399 = vector.broadcast %add3A_398 : i32 to vector<16xi32>
            %add3A_400 = arith.addi %add3A_399, %iota3A : vector<16xi32>
            %gather3A_401 = tpu.vector_load_idx %arg10[%add3A_400, %broadcast_in_dim3A_365] : memref<64x896xf32, #tpu.memory_space<vmem>>[vector<16xi32>, vector<16xi32>], vector<16xf32>,
            %add3A_402 = arith.constant 48 : i32
            %add3A_403 = arith.addi %multiple_of3A_374, %add3A_402 : i32
            %swap3A_404 = arith.index_cast %add3A_403 : i32 to index
            %swap3A_405 = tpu.vector_load %arg11[%swap3A_404] {strides = array<i32>} : memref<4096xf32, #tpu.memory_space<vmem>>, vector<16xf32>,
            tpu.vector_store %arg11[%swap3A_404], %gather3A_401 {strides = array<i32>} : memref<4096xf32, #tpu.memory_space<vmem>>, vector<16xf32>,
            %mul3A_406 = arith.constant 64 : i32
            %mul3A_407 = arith.muli %squeeze3A_361, %mul3A_406 : i32
            %multiple_of3A_408 = tpu.assume_multiple %mul3A_407, 8 : i32
            %dma_start3A_409 = tpu.memref_slice %arg11[%multiple_of3A_374] : memref<4096xf32, #tpu.memory_space<vmem>> -> memref<64xf32, #tpu.memory_space<vmem>>
            %dma_start3A_410 = tpu.memref_slice %arg4[%multiple_of3A_408] : memref<1048576xf32, #tpu.memory_space<hbm>> -> memref<64xf32, #tpu.memory_space<hbm>>
            %dma_start3A_411 = tpu.memref_slice %arg4[%multiple_of3A_408] : memref<1048576xf32, #tpu.memory_space<hbm>> -> memref<64xf32, #tpu.memory_space<hbm>>
            %dma_start3A_412 = tpu.memref_slice %arg11[%multiple_of3A_374] : memref<4096xf32, #tpu.memory_space<vmem>> -> memref<64xf32, #tpu.memory_space<vmem>>
            tpu.enqueue_dma source(%dma_start3A_412 : memref<64xf32, #tpu.memory_space<vmem>>) target(%dma_start3A_411 : memref<64xf32, #tpu.memory_space<hbm>>) target_semaphore(%arg14 : memref<!tpu.dma_semaphore, #tpu.memory_space<semaphore_mem>>)
            %ne3A_413 = vector.broadcast %squeeze3A : i32 to vector<16xi32>
            %ne3A_414 = arith.cmpi ne, %iota3A, %ne3A_413 : vector<16xi32>
            %and3A_415 = arith.andi %while3A_352, %ne3A_414 : vector<16xi1>
            %add3A_416 = arith.constant 1 : i32
            %add3A_417 = arith.addi %cond3A_371, %add3A_416 : i32
            scf.yield %and3A_415, %add3A_417 : vector<16xi1>, i32
          }
          scf.yield %while3A_351#1 : i32
        }
        %while3A_325 = arith.constant 1 : i32
        %while3A_326 = scf.for %while3A_333 = %while3A_322 to %while3A_318 step %while3A_325 iter_args(%while3A_334 = %while3A_324) -> (i32)  : i32 {
          %mul3A_335 = arith.constant 16 : i32
          %mul3A_336 = arith.muli %while3A_333, %mul3A_335 : i32
          %get3A = arith.index_cast %mul3A_336 : i32 to index
          %get3A_337 = tpu.vector_load %arg7[%get3A] {strides = array<i32>} : memref<2064xi32, #tpu.memory_space<vmem>>, vector<16xi32>,
          %shift_right_arithmetic3A = arith.constant 7 : i32
          %shift_right_arithmetic3A_338 = vector.broadcast %shift_right_arithmetic3A : i32 to vector<16xi32>
          %shift_right_arithmetic3A_339 = arith.shrsi %get3A_337, %shift_right_arithmetic3A_338 : vector<16xi32>
          %mul3A_340 = arith.constant 16 : i32
          %mul3A_341 = arith.muli %while3A_333, %mul3A_340 : i32
          %add3A_342 = vector.broadcast %mul3A_341 : i32 to vector<16xi32>
          %add3A_343 = arith.addi %add3A_342, %iota3A : vector<16xi32>
          %lt3A_344 = vector.broadcast %scan3A_156 : i32 to vector<16xi32>
          %lt3A_345 = arith.cmpi slt, %add3A_343, %lt3A_344 : vector<16xi32>
          %ge3A = vector.broadcast %add3A_286 : i32 to vector<16xi32>
          %ge3A_346 = arith.cmpi sge, %shift_right_arithmetic3A_339, %ge3A : vector<16xi32>
          %and3A_347 = arith.andi %lt3A_345, %ge3A_346 : vector<16xi1>
          %lt3A_348 = vector.broadcast %min3A_289 : i32 to vector<16xi32>
          %lt3A_349 = arith.cmpi slt, %shift_right_arithmetic3A_339, %lt3A_348 : vector<16xi32>
          %and3A_350 = arith.andi %and3A_347, %lt3A_349 : vector<16xi1>
          %while3A_351:2 = scf.while (%while3A_352 = %and3A_350, %while3A_353 = %while3A_334) : (vector<16xi1>, i32) -> (vector<16xi1>, i32) {
            %reduce_or3A = arith.constant 1.000000e+00 : f32
            %reduce_or3A_354 = arith.constant 0.000000e+00 : f32
            %reduce_or3A_355 = vector.broadcast %reduce_or3A : f32 to vector<16xf32>
            %reduce_or3A_356 = vector.broadcast %reduce_or3A_354 : f32 to vector<16xf32>
            %reduce_or3A_357 = arith.select %while3A_352, %reduce_or3A_355, %reduce_or3A_356 : vector<16xi1>, vector<16xf32>
            %reduce_or3A_358 = arith.constant true
            %reduce_or3A_359 = vector.broadcast %reduce_or3A_358 : i1 to vector<16xi1>
            %reduce_or3A_360 = tpu.scan <max>, %reduce_or3A_357 masked %reduce_or3A_359 : vector<16xf32>, vector<16xi1> -> vector<16xf32>
            %reduce_or3A_361 = vector.extract %reduce_or3A_360[15] : f32 from vector<16xf32>
            %reduce_or3A_362 = arith.constant 0.000000e+00 : f32
            %reduce_or3A_363 = arith.cmpf ogt, %reduce_or3A_361, %reduce_or3A_362 : f32
            scf.condition(%reduce_or3A_363) %while3A_352, %while3A_353 : vector<16xi1>, i32
          } do {
          ^bb0(%while3A_352: vector<16xi1>, %while3A_353: i32):
            %all_reduce_ffs3A = tpu.all_reduce %while3A_352 {dim = 0 : i64, kind = #tpu.reduction_kind<find_first_set>} : vector<16xi1> -> vector<16xi32>
            %slice3A = vector.extract_strided_slice %all_reduce_ffs3A {offsets = [0], sizes = [1], strides = [1]} : vector<16xi32> to vector<1xi32>
            %squeeze3A = vector.extract %slice3A[0] : i32 from vector<1xi32>
            %mul3A_354 = arith.constant 16 : i32
            %mul3A_355 = arith.muli %while3A_333, %mul3A_354 : i32
            %add3A_356 = arith.addi %mul3A_355, %squeeze3A : i32
            %broadcast_in_dim3A = vector.broadcast %add3A_356 : i32 to vector<16xi32>
            %gather3A = tpu.vector_load_idx %arg7[%broadcast_in_dim3A] : memref<2064xi32, #tpu.memory_space<vmem>>[vector<16xi32>], vector<16xi32>,
            %slice3A_357 = vector.extract_strided_slice %gather3A {offsets = [0], sizes = [1], strides = [1]} : vector<16xi32> to vector<1xi32>
            %squeeze3A_358 = vector.extract %slice3A_357[0] : i32 from vector<1xi32>
            %gather3A_359 = tpu.vector_load_idx %arg8[%broadcast_in_dim3A] : memref<2064xi32, #tpu.memory_space<vmem>>[vector<16xi32>], vector<16xi32>,
            %slice3A_360 = vector.extract_strided_slice %gather3A_359 {offsets = [0], sizes = [1], strides = [1]} : vector<16xi32> to vector<1xi32>
            %squeeze3A_361 = vector.extract %slice3A_360[0] : i32 from vector<1xi32>
            %mul3A_362 = arith.constant 128 : i32
            %mul3A_363 = arith.muli %min3A_283, %mul3A_362 : i32
            %sub3A_364 = arith.subi %squeeze3A_358, %mul3A_363 : i32
            %broadcast_in_dim3A_365 = vector.broadcast %sub3A_364 : i32 to vector<16xi32>
            %ge3A_366 = arith.constant 32 : i32
            %ge3A_367 = arith.cmpi sge, %while3A_353, %ge3A_366 : i32
            %convert_element_type3A_368 = arith.extui %ge3A_367 : i1 to i32
            %cond3A_369 = arith.constant 0 : i32
            %cond3A_370 = arith.cmpi ne, %convert_element_type3A_368, %cond3A_369 : i32
            %cond3A_371 = scf.if %cond3A_370 -> (i32) {
              %dma_wait3A_418 = arith.constant 0 : i32
              %dma_wait3A_419 = tpu.memref_slice %arg11[%dma_wait3A_418] : memref<4096xf32, #tpu.memory_space<vmem>> -> memref<2048xf32, #tpu.memory_space<vmem>>
              %dma_wait3A_420 = arith.constant 0 : i32
              %dma_wait3A_421 = tpu.memref_slice %arg4[%dma_wait3A_420] : memref<1048576xf32, #tpu.memory_space<hbm>> -> memref<2048xf32, #tpu.memory_space<hbm>>
              %dma_wait3A_422 = arith.constant 0 : i32
              %dma_wait3A_423 = tpu.memref_slice %arg11[%dma_wait3A_422] : memref<4096xf32, #tpu.memory_space<vmem>> -> memref<2048xf32, #tpu.memory_space<vmem>>
              %dma_wait3A_424 = arith.constant 0 : i32
              %dma_wait3A_425 = tpu.memref_slice %arg4[%dma_wait3A_424] : memref<1048576xf32, #tpu.memory_space<hbm>> -> memref<2048xf32, #tpu.memory_space<hbm>>
              tpu.wait_dma2 semaphore(%arg14 : memref<!tpu.dma_semaphore, #tpu.memory_space<semaphore_mem>>) src(%dma_wait3A_425 : memref<2048xf32, #tpu.memory_space<hbm>>) dst(%dma_wait3A_423 : memref<2048xf32, #tpu.memory_space<vmem>>)
              %cond3A_426 = arith.constant 0 : i32
              scf.yield %cond3A_426 : i32
            } else {
              scf.yield %while3A_353 : i32
            }
            %mul3A_372 = arith.constant 128 : i32
            %mul3A_373 = arith.muli %cond3A_371, %mul3A_372 : i32
            %multiple_of3A_374 = tpu.assume_multiple %mul3A_373, 8 : i32
            %add3A_375 = arith.constant 0 : i32
            %add3A_376 = vector.broadcast %add3A_375 : i32 to vector<16xi32>
            %add3A_377 = arith.addi %add3A_376, %iota3A : vector<16xi32>
            %gather3A_378 = tpu.vector_load_idx %arg10[%add3A_377, %broadcast_in_dim3A_365] : memref<64x896xf32, #tpu.memory_space<vmem>>[vector<16xi32>, vector<16xi32>], vector<16xf32>,
            %add3A_379 = arith.constant 0 : i32
            %add3A_380 = arith.addi %multiple_of3A_374, %add3A_379 : i32
            %swap3A = arith.index_cast %add3A_380 : i32 to index
            %swap3A_381 = tpu.vector_load %arg11[%swap3A] {strides = array<i32>} : memref<4096xf32, #tpu.memory_space<vmem>>, vector<16xf32>,
            tpu.vector_store %arg11[%swap3A], %gather3A_378 {strides = array<i32>} : memref<4096xf32, #tpu.memory_space<vmem>>, vector<16xf32>,
            %add3A_382 = arith.constant 16 : i32
            %add3A_383 = vector.broadcast %add3A_382 : i32 to vector<16xi32>
            %add3A_384 = arith.addi %add3A_383, %iota3A : vector<16xi32>
            %gather3A_385 = tpu.vector_load_idx %arg10[%add3A_384, %broadcast_in_dim3A_365] : memref<64x896xf32, #tpu.memory_space<vmem>>[vector<16xi32>, vector<16xi32>], vector<16xf32>,
            %add3A_386 = arith.constant 16 : i32
            %add3A_387 = arith.addi %multiple_of3A_374, %add3A_386 : i32
            %swap3A_388 = arith.index_cast %add3A_387 : i32 to index
            %swap3A_389 = tpu.vector_load %arg11[%swap3A_388] {strides = array<i32>} : memref<4096xf32, #tpu.memory_space<vmem>>, vector<16xf32>,
            tpu.vector_store %arg11[%swap3A_388], %gather3A_385 {strides = array<i32>} : memref<4096xf32, #tpu.memory_space<vmem>>, vector<16xf32>,
            %add3A_390 = arith.constant 32 : i32
            %add3A_391 = vector.broadcast %add3A_390 : i32 to vector<16xi32>
            %add3A_392 = arith.addi %add3A_391, %iota3A : vector<16xi32>
            %gather3A_393 = tpu.vector_load_idx %arg10[%add3A_392, %broadcast_in_dim3A_365] : memref<64x896xf32, #tpu.memory_space<vmem>>[vector<16xi32>, vector<16xi32>], vector<16xf32>,
            %add3A_394 = arith.constant 32 : i32
            %add3A_395 = arith.addi %multiple_of3A_374, %add3A_394 : i32
            %swap3A_396 = arith.index_cast %add3A_395 : i32 to index
            %swap3A_397 = tpu.vector_load %arg11[%swap3A_396] {strides = array<i32>} : memref<4096xf32, #tpu.memory_space<vmem>>, vector<16xf32>,
            tpu.vector_store %arg11[%swap3A_396], %gather3A_393 {strides = array<i32>} : memref<4096xf32, #tpu.memory_space<vmem>>, vector<16xf32>,
            %add3A_398 = arith.constant 48 : i32
            %add3A_399 = vector.broadcast %add3A_398 : i32 to vector<16xi32>
            %add3A_400 = arith.addi %add3A_399, %iota3A : vector<16xi32>
            %gather3A_401 = tpu.vector_load_idx %arg10[%add3A_400, %broadcast_in_dim3A_365] : memref<64x896xf32, #tpu.memory_space<vmem>>[vector<16xi32>, vector<16xi32>], vector<16xf32>,
            %add3A_402 = arith.constant 48 : i32
            %add3A_403 = arith.addi %multiple_of3A_374, %add3A_402 : i32
            %swap3A_404 = arith.index_cast %add3A_403 : i32 to index
            %swap3A_405 = tpu.vector_load %arg11[%swap3A_404] {strides = array<i32>} : memref<4096xf32, #tpu.memory_space<vmem>>, vector<16xf32>,
            tpu.vector_store %arg11[%swap3A_404], %gather3A_401 {strides = array<i32>} : memref<4096xf32, #tpu.memory_space<vmem>>, vector<16xf32>,
            %mul3A_406 = arith.constant 64 : i32
            %mul3A_407 = arith.muli %squeeze3A_361, %mul3A_406 : i32
            %multiple_of3A_408 = tpu.assume_multiple %mul3A_407, 8 : i32
            %dma_start3A_409 = tpu.memref_slice %arg11[%multiple_of3A_374] : memref<4096xf32, #tpu.memory_space<vmem>> -> memref<64xf32, #tpu.memory_space<vmem>>
            %dma_start3A_410 = tpu.memref_slice %arg4[%multiple_of3A_408] : memref<1048576xf32, #tpu.memory_space<hbm>> -> memref<64xf32, #tpu.memory_space<hbm>>
            %dma_start3A_411 = tpu.memref_slice %arg4[%multiple_of3A_408] : memref<1048576xf32, #tpu.memory_space<hbm>> -> memref<64xf32, #tpu.memory_space<hbm>>
            %dma_start3A_412 = tpu.memref_slice %arg11[%multiple_of3A_374] : memref<4096xf32, #tpu.memory_space<vmem>> -> memref<64xf32, #tpu.memory_space<vmem>>
            tpu.enqueue_dma source(%dma_start3A_412 : memref<64xf32, #tpu.memory_space<vmem>>) target(%dma_start3A_411 : memref<64xf32, #tpu.memory_space<hbm>>) target_semaphore(%arg14 : memref<!tpu.dma_semaphore, #tpu.memory_space<semaphore_mem>>)
            %ne3A_413 = vector.broadcast %squeeze3A : i32 to vector<16xi32>
            %ne3A_414 = arith.cmpi ne, %iota3A, %ne3A_413 : vector<16xi32>
            %and3A_415 = arith.andi %while3A_352, %ne3A_414 : vector<16xi1>
            %add3A_416 = arith.constant 1 : i32
            %add3A_417 = arith.addi %cond3A_371, %add3A_416 : i32
            scf.yield %and3A_415, %add3A_417 : vector<16xi1>, i32
          }
          scf.yield %while3A_351#1 : i32
        }
        %add3A_327 = arith.constant 2 : i32
        %add3A_328 = arith.addi %add3A_210, %add3A_327 : i32
        %lt3A_329 = arith.cmpi slt, %add3A_328, %select_n3A : i32
        %convert_element_type3A_330 = arith.extui %lt3A_329 : i1 to i32
        %cond3A_331 = arith.constant 0 : i32
        %cond3A_332 = arith.cmpi ne, %convert_element_type3A_330, %cond3A_331 : i32
        scf.if %cond3A_332 {
          %add3A_333 = arith.constant 2 : i32
          %add3A_334 = arith.addi %add3A_210, %add3A_333 : i32
          %mul3A_335 = arith.constant 7 : i32
          %mul3A_336 = arith.muli %mul3A_335, %add3A_334 : i32
          %add3A_337 = arith.addi %mul3A_2, %mul3A_336 : i32
          %min3A_338 = arith.constant 7806 : i32
          %min3A_339 = arith.minsi %add3A_337, %min3A_338 : i32
          %mul3A_340 = arith.constant 128 : i32
          %mul3A_341 = arith.muli %min3A_339, %mul3A_340 : i32
          %multiple_of3A_342 = tpu.assume_multiple %mul3A_341, 128 : i32
          %dma_start3A_343 = arith.constant 0 : i32
          %dma_start3A_344 = tpu.memref_slice %arg3[%dma_start3A_343, %multiple_of3A_342] : memref<64x1000000xf32, #tpu.memory_space<hbm>> -> memref<64x896xf32, #tpu.memory_space<hbm>>
          %dma_start3A_345 = arith.constant 0 : i32
          %dma_start3A_346 = tpu.memref_slice %arg3[%dma_start3A_345, %multiple_of3A_342] : memref<64x1000000xf32, #tpu.memory_space<hbm>> -> memref<64x896xf32, #tpu.memory_space<hbm>>
          tpu.enqueue_dma source(%dma_start3A_346 : memref<64x896xf32, #tpu.memory_space<hbm>>) target(%arg10 : memref<64x896xf32, #tpu.memory_space<vmem>>) target_semaphore(%arg13 : memref<!tpu.dma_semaphore, #tpu.memory_space<semaphore_mem>>)
        } else {
        }
        scf.yield %while3A_326 : i32
      } else {
        scf.yield %while3A_264 : i32
      }
      scf.yield %cond3A_272 : i32
    }
    %while3A_195 = arith.constant 0 : i32
    %while3A_196 = arith.constant 0 : i32
    %while3A_197 = arith.subi %while3A_194, %while3A_196 : i32
    %while3A_198 = arith.addi %while3A_196, %while3A_197 : i32
    %while3A_199 = arith.constant 1 : i32
    %while3A_200 = arith.divsi %while3A_197, %while3A_199 : i32
    %while3A_201 = arith.muli %while3A_200, %while3A_199 : i32
    %while3A_202 = arith.addi %while3A_196, %while3A_201 : i32
    %while3A_203 = arith.constant 1 : i32
    scf.for %while3A_205 = %while3A_196 to %while3A_202 step %while3A_203  : i32 {
      %dma_wait3A_206 = arith.constant 0 : i32
      %dma_wait3A_207 = tpu.memref_slice %arg11[%dma_wait3A_206] : memref<4096xf32, #tpu.memory_space<vmem>> -> memref<64xf32, #tpu.memory_space<vmem>>
      %dma_wait3A_208 = arith.constant 0 : i32
      %dma_wait3A_209 = tpu.memref_slice %arg4[%dma_wait3A_208] : memref<1048576xf32, #tpu.memory_space<hbm>> -> memref<64xf32, #tpu.memory_space<hbm>>
      %dma_wait3A_210 = arith.constant 0 : i32
      %dma_wait3A_211 = tpu.memref_slice %arg11[%dma_wait3A_210] : memref<4096xf32, #tpu.memory_space<vmem>> -> memref<64xf32, #tpu.memory_space<vmem>>
      %dma_wait3A_212 = arith.constant 0 : i32
      %dma_wait3A_213 = tpu.memref_slice %arg4[%dma_wait3A_212] : memref<1048576xf32, #tpu.memory_space<hbm>> -> memref<64xf32, #tpu.memory_space<hbm>>
      tpu.wait_dma2 semaphore(%arg14 : memref<!tpu.dma_semaphore, #tpu.memory_space<semaphore_mem>>) src(%dma_wait3A_213 : memref<64xf32, #tpu.memory_space<hbm>>) dst(%dma_wait3A_211 : memref<64xf32, #tpu.memory_space<vmem>>)
    }
    %while3A_204 = arith.constant 1 : i32
    scf.for %while3A_205 = %while3A_202 to %while3A_198 step %while3A_204  : i32 {
      %dma_wait3A_206 = arith.constant 0 : i32
      %dma_wait3A_207 = tpu.memref_slice %arg11[%dma_wait3A_206] : memref<4096xf32, #tpu.memory_space<vmem>> -> memref<64xf32, #tpu.memory_space<vmem>>
      %dma_wait3A_208 = arith.constant 0 : i32
      %dma_wait3A_209 = tpu.memref_slice %arg4[%dma_wait3A_208] : memref<1048576xf32, #tpu.memory_space<hbm>> -> memref<64xf32, #tpu.memory_space<hbm>>
      %dma_wait3A_210 = arith.constant 0 : i32
      %dma_wait3A_211 = tpu.memref_slice %arg11[%dma_wait3A_210] : memref<4096xf32, #tpu.memory_space<vmem>> -> memref<64xf32, #tpu.memory_space<vmem>>
      %dma_wait3A_212 = arith.constant 0 : i32
      %dma_wait3A_213 = tpu.memref_slice %arg4[%dma_wait3A_212] : memref<1048576xf32, #tpu.memory_space<hbm>> -> memref<64xf32, #tpu.memory_space<hbm>>
      tpu.wait_dma2 semaphore(%arg14 : memref<!tpu.dma_semaphore, #tpu.memory_space<semaphore_mem>>) src(%dma_wait3A_213 : memref<64xf32, #tpu.memory_space<hbm>>) dst(%dma_wait3A_211 : memref<64xf32, #tpu.memory_space<vmem>>)
    }
    return
  }
}

</mosaic_0001>

<sc_bundles>
// kernel: kernel.3.cloned.1.call-start
scs
__scs_entry_jumppad:
0x0: {  	(pc) =	sbr.rel $0x88, $3  }
0x1: {  	(tag) =	ssettag $0x0;
	lr =	simm.s32 $0x1  }
0x2: {  	[smem:$0x3F9F] =	sst lr;
	_ =	strace $0xD0000000  }
0x3: {  	_ = 	snop  }
0x4: {  	_ = 	snop  }
0x5: {  	_ = 	snop  }
0x6: {  	_ = 	snop  }
0x7: {  	_ = 	snop  }
__scs_overlays_trampoline_lowered:
0x8: {  	[smem:$0x3FAE] =	sst s0  }
0x9: {  	[smem:$0x3FAF] =	sst s1  }
0xa: {  	[smem:$0x3FB0] =	sst s2  }
0xb: {  	[smem:$0x3FB1] =	sst s3  }
0xc: {  	[smem:$0x3FB2] =	sst s4  }
0xd: {  	[smem:$0x3FB3] =	sst s5  }
0xe: {  	[smem:$0x3FB4] =	sst s6  }
0xf: {  	[smem:$0x3FB5] =	sst s7  }
0x10: {  	[smem:$0x3FB6] =	sst s8  }
0x11: {  	[smem:$0x3FB7] =	sst s9;
	s0 =	simm.s32 @!p0 $0x0  }
0x12: {  	s1 =	sld [smem:$0x3F9D];
	s0 =	simm.s32 @p0 $0x1  }
0x13: {  	[smem:$0x3FB8] =	sst s0;
	s0 =	simm.s32 @!p1 $0x0  }
0x14: {  	s2 =	sld [smem:$0x3F9C];
	s0 =	simm.s32 @p1 $0x1  }
0x15: {  	[smem:$0x3FB9] =	sst s0;
	s0 =	simm.s32 @!p2 $0x0  }
0x16: {  	s3 =	sld [smem:$0x3FDB];
	s0 =	simm.s32 @p2 $0x1  }
0x17: {  	s4 =	simm.s32 $0x1BF5;
	[smem:$0x3FBB] =	sst s0  }
0x18: {  	s0 =	sld [smem:$0x3F9E];
	_ =	swait.ge [sflag:s4], $0x0  }
0x19: {  	s7 =	sld [smem:$0x3F9F]  }
0x1a: {  	s8 =	sadd.s32 $0xFFFFE003, lr  }
0x1b: {  	s9 =	sadd.s32 $0xFFFFFEF7, lr;
	s5 =	simm.s32 $0xFFFFFFFF;
	p2 =	slt.u32 s8, $0xFFFFF086  }
0x1c: {  	p1 =	slt.u32 s9, $0xF7A;
	s5 =	simm.s32 @!p2 $0x0  }
0x1d: {  	s5 =	simm.s32 @p1 $0x1;
	p0 =	seq.s32 s7, s2  }
0x1e: {  	s7 =	smul.u32 @!p0 $0xF7A, s2;
	p2 =	seq.s32 @!p0 s5, $0x0  }
0x1f: {  	s9 =	smul.u32 $0xF7A, s1;
	s8 =	simm.s32 @!p0 $0x1BF5;
	p2 =	por !p2, p0  }
0x20: {  	[sflag:s8] =	ssyncset.s32 @!p0 $0xFFFFF086;
	s6 =	sadd.s32 @!p0 s3, s7;
	s7 =	simm.s32 @!p0 $0x108  }
0x21: {  	s3 =	sadd.s32 s3, s9;
	s6 =	sadd.s32 @!p0 $0x88, s6;
	s7 =	simm.s32 @p2 $0x1082  }
0x22: {  	[simem:s7], [sflag:s8] =	dma.local @!p0 [hbm:s6], $0xF7A  }
0x23: {  	s9 =	sor.u32 $0xD0000000, s2;
	s6 =	simm.s32 $0x108;
	_ =	swait.ge @!p0 [sflag:s8], $0x0  }
0x24: {  	s3 =	sadd.s32 $0x88, s3;
	s6 =	simm.s32 @!p1 $0x1082;
	[sflag:s4] =	ssyncset.s32 $0xFFFFF086  }
0x25: {  	[simem:s6], [sflag:s4] =	dma.local [hbm:s3], $0xF7A  }
0x26: {  	[smem:$0x3F9F] =	sst s1;
	(tag) =	ssettag s2;
	_ =	strace s9  }
0x27: {  	s1 =	sld [smem:$0x3FAF]  }
0x28: {  	s2 =	sld [smem:$0x3FB0]  }
0x29: {  	s4 =	sld [smem:$0x3FB2]  }
0x2a: {  	p0 =	seq.s32 s5, $0x0;
	s5 =	sld [smem:$0x3FB3]  }
0x2b: {  	s6 =	sld [smem:$0x3FB4]  }
0x2c: {  	s7 =	sld [smem:$0x3FB5]  }
0x2d: {  	s3 =	simm.s32 $0x108;
	s8 =	sld [smem:$0x3FB6]  }
0x2e: {  	s3 =	simm.s32 @!p0 $0x1082;
	s9 =	sld [smem:$0x3FB7]  }
0x2f: {  	lr =	sadd.s32 s0, s3;
	s0 =	sld [smem:$0x3FAE]  }
0x30: {  	s3 =	sld [smem:$0x3FB1]  }
0x31: {  	[smem:$0x3FBA] =	sst s10  }
0x32: {  	s10 =	sld [smem:$0x3FB8];
	_ =	sdelay $0x3  }
0x33: {  	p0 =	seq.s32 s10, $0x1;
	s10 =	sld [smem:$0x3FBA];
	_ =	sdelay $0x3  }
0x34: {  	[smem:$0x3FBA] =	sst s10  }
0x35: {  	s10 =	sld [smem:$0x3FB9];
	_ =	sdelay $0x3  }
0x36: {  	p1 =	seq.s32 s10, $0x1;
	s10 =	sld [smem:$0x3FBA];
	_ =	sdelay $0x3  }
0x37: {  	[smem:$0x3FBA] =	sst s10  }
0x38: {  	s10 =	sld [smem:$0x3FBB]  }
0x39: {  	_ = 	snop;
	(pc) =	sbr.ind lr, $3  }
0x3a: {  	_ = 	snop  }
0x3b: {  	_ = 	snop  }
0x3c: {  	p2 =	seq.s32 s10, $0x1;
	s10 =	sld [smem:$0x3FBA]  }
0x3d: {  	_ =	shalt  }
0x3e: {  	_ =	shalt  }
0x3f: {  	_ =	shalt  }
0x40: {  	_ =	shalt  }
0x41: {  	_ =	shalt  }
0x42: {  	_ =	shalt  }
0x43: {  	_ =	shalt  }
0x44: {  	_ =	shalt  }
0x45: {  	_ =	shalt  }
0x46: {  	_ =	shalt  }
0x47: {  	_ =	shalt  }
0x48: {  	_ =	shalt  }
0x49: {  	_ =	shalt  }
0x4a: {  	_ =	shalt  }
0x4b: {  	_ =	shalt  }
0x4c: {  	_ =	shalt  }
0x4d: {  	_ =	shalt  }
0x4e: {  	_ =	shalt  }
0x4f: {  	_ =	shalt  }
0x50: {  	_ =	shalt  }
0x51: {  	_ =	shalt  }
0x52: {  	_ =	shalt  }
0x53: {  	_ =	shalt  }
0x54: {  	_ =	shalt  }
0x55: {  	_ =	shalt  }
0x56: {  	_ =	shalt  }
0x57: {  	_ =	shalt  }
0x58: {  	_ =	shalt  }
0x59: {  	_ =	shalt  }
0x5a: {  	_ =	shalt  }
0x5b: {  	_ =	shalt  }
0x5c: {  	_ =	shalt  }
0x5d: {  	_ =	shalt  }
0x5e: {  	_ =	shalt  }
0x5f: {  	_ =	shalt  }
0x60: {  	_ =	shalt  }
0x61: {  	_ =	shalt  }
0x62: {  	_ =	shalt  }
0x63: {  	_ =	shalt  }
0x64: {  	_ =	shalt  }
0x65: {  	_ =	shalt  }
0x66: {  	_ =	shalt  }
0x67: {  	_ =	shalt  }
0x68: {  	_ =	shalt  }
0x69: {  	_ =	shalt  }
0x6a: {  	_ =	shalt  }
0x6b: {  	_ =	shalt  }
0x6c: {  	_ =	shalt  }
0x6d: {  	_ =	shalt  }
0x6e: {  	_ =	shalt  }
0x6f: {  	_ =	shalt  }
0x70: {  	_ =	shalt  }
0x71: {  	_ =	shalt  }
0x72: {  	_ =	shalt  }
0x73: {  	_ =	shalt  }
0x74: {  	_ =	shalt  }
0x75: {  	_ =	shalt  }
0x76: {  	_ =	shalt  }
0x77: {  	_ =	shalt  }
0x78: {  	_ =	shalt  }
0x79: {  	_ =	shalt  }
0x7a: {  	_ =	shalt  }
0x7b: {  	_ =	shalt  }
0x7c: {  	_ =	shalt  }
0x7d: {  	_ =	shalt  }
0x7e: {  	_ =	shalt  }
0x7f: {  	_ =	shalt  }
0x80: {  	_ =	shalt  }
0x81: {  	_ =	shalt  }
0x82: {  	_ =	shalt  }
0x83: {  	_ =	shalt  }
0x84: {  	_ =	shalt  }
0x85: {  	_ =	shalt  }
0x86: {  	_ =	shalt  }
0x87: {  	_ =	shalt  }
.Lfunc_end0:
.L_simem_size_0:
called_computation_lowered:
.L_overlay_start_0:
0x88: {  	s2 =	sld [smem:$0x3FD9]  }
0x89: {  	s3 =	sld [smem:$0x3FFE];
	_ =	sdelay $0x1  }
0x8a: {  	s1 =	srdreg.scid  }
0x8b: {  	s0 =	sand.u32 $0x1, s1  }
0x8c: {  	s18 =	sshll.u32 s0, $0xA;
	s2 =	sadd.s32 s3, s2  }
0x8d: {  	s2 =	sadd.s32 s2, s18  }
0x8e: {  	[smem:$0x3FC6] =	sst s2  }
0x8f: {  	_ = 	snop  }
0x90: {  	s2 =	sld [smem:$0x3FC9]  }
0x91: {  	s19 =	sld [smem:$0x3FC8]  }
0x92: {  	s4 =	sld [smem:$0x3FD0];
	(tm) =	ssettm $0x1  }
0x93: {  	s5 =	sld [smem:$0x3FFB];
	_ =	sdelay $0x3  }
0x94: {  	_ =	strace s5  }
0x95: {  	s5 =	sld [smem:$0x3FFC];
	_ =	sdelay $0x3  }
0x96: {  	_ =	strace s5  }
0x97: {  	s5 =	sld [smem:$0x3FFD];
	_ =	sdelay $0x3  }
0x98: {  	_ =	strace s5  }
0x99: {  	_ =	strace $0x8FFFFFFF  }
0x9a: {  	s20 =	sld [smem:$0x3FDB];
	_ =	sdelay $0x1  }
0x9b: {  	s6 =	simm.s32 $_scs_section_size  }
0x9c: {  	s7 =	simm.s32 $_size__tile_overlayer_lowered;
	s8 =	simm.s32 $_tile_overlayer_lowered  }
0x9d: {  	s23 =	simm.s32 $0x1BFF;
	s22 =	sshll.u32 s8, $0x1;
	s5 =	sadd.s32 s6, s20  }
0x9e: {  	s9 =	simm.s32 $0x0;
	s21 =	sshll.u32 s7, $0x1;
	s7 =	sadd.s32 s22, s5  }
0x9f: {  	[timem:s9], [sflag:s23] =	dma.local [hbm:s7], s21  }
0xa0: {  	_ =	swait.ge [sflag:s23], s21  }
0xa1: {  	s6 =	ssub.s32 $0x0, s21;
	[sflag:s23] =	ssyncset.done $0x0  }
0xa2: {  	[sflag:s23] =	ssyncadd.s32 s6;
	_ =	sdelay $0x1  }
0xa3: {  	s24 =	simm.s32 $0x1B8B  }
0xa4: {  	_ =	swait.ge [sflag:s24], $0x1  }
0xa5: {  	[sflag:s24] =	ssyncset.done $0x0  }
0xa6: {  	s25 =	simm.s32 $0x1B8E;
	[sflag:s24] =	ssyncadd.s32 $0xFFFFFFFF  }
0xa7: {  	s26 =	simm.s32 $execute0_lowered;
	[smem:$0x3FD2] =	sst s25  }
0xa8: {  	s6 =	sshll.u32 s26, $0x1;
	_ =	strace $0x80000046;
	[dreg:$0x1] =	wrdreg $0xFFFFFFFF  }
0xa9: {  	s28 =	simm.s32 $_size_execute0_lowered;
	s5 =	sadd.s32 s5, s6;
	[dreg:$0x0] =	wrdreg $0x0  }
0xaa: {  	s6 =	sshll.u32 s28, $0x1;
	[dreg:$0x2] =	wrdreg s5  }
0xab: {  	[dreg:$0x3] =	wrdreg s6  }
0xac: {  	[dreg:$0x4] =	wrdreg $0xC0  }
0xad: {  	_ =	task [dreg:s9], $0x5FFFF  }
0xae: {  	[dreg:$0x1] =	wrdreg $0xFFFFFFFF  }
0xaf: {  	[dreg:$0x0] =	wrdreg $0x60  }
0xb0: {  	[dreg:$0x2] =	wrdreg s2  }
0xb1: {  	[dreg:$0x3] =	wrdreg s19  }
0xb2: {  	[dreg:$0x4] =	wrdreg s4  }
0xb3: {  	[dreg:$0x5] =	wrdreg $0x9  }
0xb4: {  	_ =	task.clear_ibuf [dreg:s9], $0x6FFFF;
	_ =	strace $0x90000046  }
0xb5: {  	s29 =	simm.s32 $0x9;
	_ =	strace $0x80000048  }
0xb6: {  	_ =	swait.ge [sflag:s29], $0x1  }
0xb7: {  	[sflag:s29] =	ssyncadd.s32 $0xFFFFFFFF  }
0xb8: {  	_ =	strace $0x90000048  }
0xb9: {  	_ =	sfence  }
0xba: {  	s30 =	sld [smem:$0x0];
	_ =	sdelay $0x2  }
0xbb: {  	s31 =	sshll.u32 s1, $0xD;
	s1 =	sshrl.u32 s1, $0x2  }
0xbc: {  	s3 =	sand.u32 $0x4000, s31;
	s1 =	sadd.s32 s1, s30  }
0xbd: {  	s0 =	sor.u32 s3, s0;
	s1 =	sshll.u32 s1, $0x11  }
0xbe: {  	s0 =	sor.u32 s1, s0  }
0xbf: {  	s0 =	sadd.s32 $0x8F2B, s0  }
0xc0: {  	[sflag:s0] =	ssyncadd.remote.s32 $0x1  }
0xc1: {  	_ =	sfence.sel $0xFFFF  }
0xc2: {  	[dreg:$0x0] =	wrdreg $0xFFFFFFFF;
	(pc) =	sbr.abs _section_cstart, $3  }
0xc3: {  	[dreg:$0x1] =	wrdreg $0xFFFFFFFF  }
0xc4: {  	_ =	task.clear_ibuf [dreg:s9], $0x2FFFF;
	_ =	strace $0x9FFFFFFF  }
0xc5: {  	(tm) =	ssettm $0x7FFFFFFF  }
tec
execute0_lowered:
.L_overlay_start_1:
0x0: {  	(tag) =	ssettag $0x1  }
0x1: {  	v0 =	vimm.s32 $0x1F80;
	vm14 =	vcmask $0x300;
	s0 =	srdreg.scid;
	s12 =	rddreg [dreg:$0x0]  }
0x2: {  	vm13 =	vcmask $0x704;
	vm12 =	vcmask $0xB08;
	s1 =	stileid.u32;
	vm11 =	vcmask $0xF0C;
	s3 =	rddreg [dreg:$0x1]  }
0x3: {  	vm10 =	vcmask $0x1310;
	vm9 =	vcmask $0x1714;
	vm8 =	vcmask $0x1B18;
	s5 =	rddreg [dreg:$0x2];
	s7 =	simm.s32 $0x0;
	s28 =	simm.s32 $0x5  }
0x4: {  	vm7 =	vcmask $0x1F1C;
	vm6 =	vcmask $0x2320;
	vm5 =	vcmask $0x2724;
	s29 =	simm.s32 $0x1000;
	s30 =	simm.s32 $0x1880;
	s31 =	simm.s32 $0x2  }
0x5: {  	vm2 =	vcmask $0x2B28;
	vm1 =	vcmask $0x2F2C;
	vm0 =	vcmask $0x3330;
	s0 =	sand.u32 $0x1, s0;
	s1 =	sshll.u32 s1, $0x1;
	[smem:$0x7FF] =	sst s7  }
0x6: {  	vm3 =	vcmask $0x3734;
	vm4 =	vcmask $0x3B38;
	v3 =	vimm.f32 $0.0e+00;
	s19 =	sadd.s32 $0x100, s12;
	s20 =	sadd.s32 $0x200, s12;
	s2 =	sor.u32 s0, s1  }
0x7: {  	v5 =	vimm.s32 $0x5780;
	v6 =	vimm.s32 $0x8F80;
	v7 =	vimm.s32 $0xC780;
	_ =	strace $0x80000047;
	[dreg:$0x6] =	wrdreg s19;
	s1 =	smul.u32 $0xF5, s2  }
0x8: {  	v0 =	vsel vm14, $0x0, v0;
	v5 =	vsel vm14, $0x3800, v5;
	v6 =	vsel vm14, $0x7000, v6;
	s21 =	sadd.s32 $0x300, s12;
	s22 =	sadd.s32 $0x400, s12;
	[dreg:$0x7] =	wrdreg s20  }
0x9: {  	v7 =	vsel vm14, $0xA800, v7;
	s24 =	sadd.s32 $0x500, s12;
	v0 =	vsel vm13, $0x80, v0;
	v5 =	vsel vm13, $0x3880, v5;
	[dreg:$0x8] =	wrdreg s21;
	s4 =	smin.u32 s1, $0x1D90  }
0xa: {  	s26 =	sadd.s32 $0x600, s12;
	v6 =	vsel vm13, $0x7080, v6;
	v7 =	vsel vm13, $0xA880, v7;
	[dreg:$0x9] =	wrdreg s22;
	v0 =	vsel vm12, $0x100, v0;
	s6 =	sadd.s32 $0xF5, s4  }
0xb: {  	s0 =	ssub.s32 $0x2, s0;
	[dreg:$0xa] =	wrdreg s24;
	v5 =	vsel vm12, $0x3900, v5;
	v6 =	vsel vm12, $0x7100, v6;
	v7 =	vsel vm12, $0xA900, v7;
	s4 =	ssub.s32 s6, s1  }
0xc: {  	[dreg:$0xb] =	wrdreg s26;
	s22 =	simm.s32 $0x1C00;
	v0 =	vsel vm11, $0x180, v0;
	v5 =	vsel vm11, $0x3980, v5;
	v6 =	vsel vm11, $0x7180, v6;
	s9 =	smul.u32 $0x6DB7, s4  }
0xd: {  	s24 =	simm.s32 $0x10100;
	s26 =	simm.s32 $0x4;
	v7 =	vsel vm11, $0xA980, v7;
	v0 =	vsel vm10, $0x200, v0;
	v5 =	vsel vm10, $0x3A00, v5;
	s8 =	sshll.u32 s4, $0x10  }
0xe: {  	s10 =	sshrl.u32 s0, $0x1;
	v6 =	vsel vm10, $0x7200, v6;
	v7 =	vsel vm10, $0xAA00, v7;
	v0 =	vsel vm9, $0x280, v0;
	s8 =	sadd.s32 $0x60000, s8;
	s9 =	sadd.s32 $0xFFFFA493, s9  }
0xf: {  	s2 =	smul.u32 $0x7A80, s2;
	v5 =	vsel vm9, $0x3A80, v5;
	v6 =	vsel vm9, $0x7280, v6;
	v7 =	vsel vm9, $0xAA80, v7;
	s8 =	sshra.s32 s8, $0x10;
	s9 =	sand.u32 $0xFFFF, s9  }
0x10: {  	v0 =	vsel vm8, $0x300, v0;
	v5 =	vsel vm8, $0x3B00, v5;
	v6 =	vsel vm8, $0x7300, v6;
	p0 =	slt.s32 s4, $0xFFFFFFFB;
	s8 =	smul.u32 $0x4925, s8;
	p1 =	sgt.u32 s9, $0x2492  }
0x11: {  	s0 =	ssub.s32 s0, s10;
	v7 =	vsel vm8, $0xAB00, v7;
	v0 =	vsel vm7, $0x380, v0;
	v5 =	vsel vm7, $0x3B80, v5;
	s9 =	simm.s32 $0x1;
	p0 =	por !p0, !p1  }
0x12: {  	v6 =	vsel vm7, $0x7380, v6;
	v7 =	vsel vm7, $0xAB80, v7;
	v0 =	vsel vm6, $0x1C00, v0;
	s18 =	sshrl.u32 s8, $0x1F;
	s8 =	sshra.s32 s8, $0x11;
	p0 =	por !p0, !p0  }
0x13: {  	s2 =	sadd.s32 s3, s2;
	v5 =	vsel vm6, $0x5400, v5;
	v6 =	vsel vm6, $0x8C00, v6;
	v7 =	vsel vm6, $0xC400, v7;
	s4 =	sadd.s32 s18, s8;
	s9 =	simm.s32 @!p0 $0x0  }
0x14: {  	s20 =	smax.u32 s0, $0x1;
	s0 =	simm.s32 $0x0;
	v0 =	vsel vm5, $0x1C80, v0;
	v5 =	vsel vm5, $0x5480, v5;
	v6 =	vsel vm5, $0x8C80, v6;
	s9 =	ssub.s32 s4, s9  }
0x15: {  	[dreg:$0x4] =	wrdreg s2;
	s2 =	sadd.s32 $0x380, s2;
	v7 =	vsel vm5, $0xC480, v7;
	v0 =	vsel vm2, $0x1D00, v0;
	v5 =	vsel vm2, $0x5500, v5;
	s23 =	sadd.s32 $0x1, s9  }
0x16: {  	[dreg:$0x5] =	wrdreg s2;
	v6 =	vsel vm2, $0x8D00, v6;
	v7 =	vsel vm2, $0xC500, v7;
	v1 =	vsel vm1, $0x1D80, v0;
	s25 =	sand.u32 $0x8000, s23;
	s11 =	sand.u32 $0x1, s23  }
0x17: {  	v0 =	vmov s1;
	v5 =	vsel vm1, $0x5580, v5;
	v6 =	vsel vm1, $0x8D80, v6;
	p5 =	slt.s32 s9, $0x0;
	s4 =	sshrl.u32 s25, $0xF;
	p6 =	seq.s32 s11, $0x1  }
.Ltmp0:
0x18: {  	v7 =	vsel vm1, $0xC580, v7;
	v2 =	vsel vm0, $0x1E00, v1;
	v1 =	vmov s6;
	s2 =	sadd.s32 s4, s23;
	p0 =	por !p5, !p6;
	(pc) =	sbr.rel .LBB2_1-.Ltmp0, $4  }
0x19: {  	v5 =	vsel vm0, $0x5600, v5;
	v6 =	vsel vm0, $0x8E00, v6;
	v7 =	vsel vm0, $0xC600, v7;
	s4 =	simm.s32 $0x1;
	s2 =	sshll.u32 s2, $0x10;
	p0 =	por !p0, !p0  }
0x1a: {  	v4 =	vsel vm3, $0x1E80, v2;
	v2 =	vlaneseq.u32;
	s8 =	simm.s32 $0x1;
	v5 =	vsel vm3, $0x5680, v5;
	s2 =	sshra.s32 s2, $0x11;
	s4 =	simm.s32 @!p0 $0x0  }
0x1b: {  	s18 =	sadd.s32 $0x700, s12;
	v6 =	vsel vm3, $0x8E80, v6;
	v7 =	vsel vm3, $0xC680, v7;
	v4 =	vsel vm4, $0x1F00, v4;
	s25 =	simm.s32 $0x800;
	s19 =	ssub.s32 s2, s4  }
0x1c: {  	v5 =	vsel vm4, $0x5700, v5;
	v6 =	vsel vm4, $0x8F00, v6;
	v7 =	vsel vm4, $0xC700, v7;
	s23 =	simm.s32 $0x2100;
	s4 =	simm.s32 $0x3;
	p0 =	slt.s32 s19, $0x1  }
.LBB2_35:
0x1d: {  	[sflag:s4] =	ssyncadd.s32 $0xFFFFFFC0  }
.LBB2_36:
0x1e: {  	s0 =	sadd.s32 $0x1, s0  }
0x1f: {  	p1 =	sne.s32 s0, s20  }
.Ltmp1:
0x20: {  	_ = 	snop;
	(pc) =	sbr.rel @!p1 .LBB2_37-.Ltmp1, $1  }
0x21: {  	_ =	sdelay $0x3  }
.LBB2_1:
0x22: {  	s2 =	rddreg [dreg:$0x4];
	s10 =	simm.s32 $0x7A1400  }
0x23: {  	[tilespmem:s23], [sflag:$0x1] =	stream.strided.gather [hbm4b:s2+s22], $0xE000, s10, s22, $0x38;
	[tilespmem:$0x1F100] =	vst v63  }
0x24: {  	s16 =	rddreg [dreg:$0x5]  }
0x25: {  	[tilespmem:s24], [sflag:$0x2] =	stream.strided.gather [hbm4b:s16+s22], $0xE000, s10, s22, $0x38;
	[tilespmem:$0x1F100] =	vst v63  }
0x26: {  	s17 =	rddreg [dreg:$0x0]  }
0x27: {  	[tilespmem:s7], [sflag:$0x4] =	stream.linear.gather [hbm4b:s17+s7], $0x800, $0x38;
	[tilespmem:$0x1F100] =	vst v63  }
0x28: {  	s21 =	rddreg [dreg:$0x6]  }
0x29: {  	[tilespmem:s25], [sflag:$0x5] =	stream.linear.gather [hbm4b:s21+s7], $0x800, $0x38;
	[tilespmem:$0x1F100] =	vst v63  }
0x2a: {  	_ =	swait.ge [sflag:s26], $0x800  }
0x2b: {  	[sflag:s26] =	ssyncset.done $0x0  }
0x2c: {  	[sflag:s26] =	ssyncadd.s32 $0xFFFFF800  }
0x2d: {  	v8 =	vld [tilespmem:s7+$0x0];
	_ =	sdelay $0x4  }
0x2e: {  	v9 =	vshra.s32 v8, $0x7  }
0x2f: {  	vm0 =	vge.s32 v9, v0;
	vm1 =	vlt.s32 v9, v1  }
0x30: {  	vm0 =	vmand vm0, vm1  }
0x31: {  	v9 =	vmpcnt.ones.xlane vm0;
	_ =	sdelay $0x1  }
0x32: {  	(v2sf) =	vpush v9, $0x0;
	_ =	sdelay $0x3  }
0x33: {  	[tilespmem:s7+$0x1000] =	vst.msk vm0, v8;
	v8 =	vor.u32 s7, v2  }
0x34: {  	s2 =	simm.s32 $0x10;
	[tilespmem:s7+$0x1880] =	vst.msk vm0, v8  }
0x35: {  	s12 =	simm.s32 $0x20;
	s11 =	simm.s32 $0x0;
	s13 =	simm.s32 $0x10;
	v8 =	vld [tilespmem:s2+$0x0]  }
.LBB2_2:
0x36: {  	p1 =	sne.s32 s12, $0x7F0;
	_ =	sdelay $0x3  }
0x37: {  	v9 =	vshra.s32 v8, $0x7  }
0x38: {  	vm0 =	vge.s32 v9, v0;
	vm1 =	vlt.s32 v9, v1  }
0x39: {  	vm0 =	vmand vm0, vm1  }
0x3a: {  	v9 =	vmpcnt.ones.xlane vm0  }
0x3b: {  	s14 =	spop (v2sf)  }
0x3c: {  	(v2sf) =	vpush v9, $0x0;
	s11 =	sadd.s32 s11, s14  }
0x3d: {  	[tilespmem:s11+$0x1000] =	vst.msk vm0, v8;
	v8 =	vor.u32 s2, v2;
	s2 =	smov.u32 s12  }
.Ltmp2:
0x3e: {  	[tilespmem:s11+$0x1880] =	vst.msk vm0, v8;
	(pc) =	sbr.rel @p1 .LBB2_2-.Ltmp2, $3  }
0x3f: {  	_ =	sdelay $0x1  }
0x40: {  	s13 =	sadd.s32 $0x10, s13  }
0x41: {  	s12 =	sadd.s32 $0x10, s12;
	v8 =	vld [tilespmem:s13+$0x0]  }
0x42: {  	_ =	sdelay $0x3  }
0x43: {  	v9 =	vshra.s32 v8, $0x7  }
0x44: {  	vm0 =	vge.s32 v9, v0;
	vm1 =	vlt.s32 v9, v1  }
0x45: {  	vm0 =	vmand vm0, vm1  }
0x46: {  	v9 =	vmpcnt.ones.xlane vm0;
	_ =	sdelay $0x1  }
0x47: {  	(v2sf) =	vpush v9, $0x0;
	_ =	sdelay $0x9  }
0x48: {  	s12 =	spop (v2sf)  }
0x49: {  	s11 =	sadd.s32 s11, s12  }
0x4a: {  	[tilespmem:s11+$0x1000] =	vst.msk vm0, v8;
	v8 =	vor.u32 s2, v2  }
0x4b: {  	s10 =	rddreg [dreg:$0x7];
	[tilespmem:s11+$0x1880] =	vst.msk vm0, v8  }
0x4c: {  	[tilespmem:s7], [sflag:$0x4] =	stream.linear.gather [hbm4b:s10+s7], $0x800, $0x38;
	[tilespmem:$0x1F100] =	vst v63  }
0x4d: {  	s17 =	spop (v2sf)  }
0x4e: {  	_ =	swait.ge [sflag:s28], $0x800  }
0x4f: {  	[sflag:s28] =	ssyncset.done $0x0  }
0x50: {  	s21 =	simm.s32 $0x800;
	[sflag:s28] =	ssyncadd.s32 $0xFFFFF800  }
0x51: {  	v8 =	vld [tilespmem:s21+$0x0];
	_ =	sdelay $0x4  }
0x52: {  	v9 =	vshra.s32 v8, $0x7  }
0x53: {  	vm14 =	vge.s32 v9, v0;
	vm15 =	vlt.s32 v9, v1  }
0x54: {  	vm0 =	vmand vm14, vm15  }
0x55: {  	v9 =	vmpcnt.ones.xlane vm0;
	_ =	sdelay $0x1  }
0x56: {  	(v2sf) =	vpush v9, $0x0;
	_ =	sdelay $0x2  }
0x57: {  	s2 =	sadd.s32 s11, s17  }
0x58: {  	[tilespmem:s2+$0x1000] =	vst.msk vm0, v8;
	v8 =	vor.u32 s21, v2  }
0x59: {  	s11 =	simm.s32 $0x810;
	[tilespmem:s2+$0x1880] =	vst.msk vm0, v8  }
0x5a: {  	s13 =	simm.s32 $0x810;
	s12 =	simm.s32 $0x820;
	v8 =	vld [tilespmem:s11+$0x0]  }
.LBB2_4:
0x5b: {  	p1 =	sne.s32 s12, $0xFF0;
	_ =	sdelay $0x3  }
0x5c: {  	v9 =	vshra.s32 v8, $0x7  }
0x5d: {  	vm0 =	vge.s32 v9, v0;
	vm1 =	vlt.s32 v9, v1  }
0x5e: {  	vm0 =	vmand vm0, vm1  }
0x5f: {  	v9 =	vmpcnt.ones.xlane vm0  }
0x60: {  	s14 =	spop (v2sf)  }
0x61: {  	(v2sf) =	vpush v9, $0x0;
	s2 =	sadd.s32 s2, s14  }
0x62: {  	[tilespmem:s2+$0x1000] =	vst.msk vm0, v8;
	v8 =	vor.u32 s11, v2;
	s11 =	smov.u32 s12  }
.Ltmp3:
0x63: {  	[tilespmem:s2+$0x1880] =	vst.msk vm0, v8;
	(pc) =	sbr.rel @p1 .LBB2_4-.Ltmp3, $3  }
0x64: {  	_ =	sdelay $0x1  }
0x65: {  	s13 =	sadd.s32 $0x10, s13  }
0x66: {  	s12 =	sadd.s32 $0x10, s12;
	v8 =	vld [tilespmem:s13+$0x0]  }
0x67: {  	_ =	sdelay $0x3  }
0x68: {  	v9 =	vshra.s32 v8, $0x7  }
0x69: {  	vm0 =	vge.s32 v9, v0;
	vm1 =	vlt.s32 v9, v1  }
0x6a: {  	vm0 =	vmand vm0, vm1  }
0x6b: {  	v9 =	vmpcnt.ones.xlane vm0;
	_ =	sdelay $0x1  }
0x6c: {  	(v2sf) =	vpush v9, $0x0;
	_ =	sdelay $0x9  }
0x6d: {  	s12 =	spop (v2sf)  }
0x6e: {  	s2 =	sadd.s32 s2, s12  }
0x6f: {  	[tilespmem:s2+$0x1000] =	vst.msk vm0, v8;
	v8 =	vor.u32 s11, v2  }
0x70: {  	s17 =	simm.s32 $0x0;
	s10 =	rddreg [dreg:$0x8];
	[tilespmem:s2+$0x1880] =	vst.msk vm0, v8  }
0x71: {  	[tilespmem:s25], [sflag:$0x5] =	stream.linear.gather [hbm4b:s10+s17], $0x800, $0x38;
	[tilespmem:$0x1F100] =	vst v63  }
0x72: {  	s16 =	spop (v2sf)  }
0x73: {  	_ =	swait.ge [sflag:s26], $0x800  }
0x74: {  	[sflag:s26] =	ssyncset.done $0x0  }
0x75: {  	[sflag:s26] =	ssyncadd.s32 $0xFFFFF800  }
0x76: {  	v8 =	vld [tilespmem:s17+$0x0];
	_ =	sdelay $0x4  }
0x77: {  	v9 =	vshra.s32 v8, $0x7  }
0x78: {  	vm14 =	vge.s32 v9, v0;
	vm15 =	vlt.s32 v9, v1  }
0x79: {  	vm0 =	vmand vm14, vm15  }
0x7a: {  	v9 =	vmpcnt.ones.xlane vm0;
	_ =	sdelay $0x1  }
0x7b: {  	(v2sf) =	vpush v9, $0x0;
	_ =	sdelay $0x2  }
0x7c: {  	s21 =	simm.s32 $0x1000;
	s2 =	sadd.s32 s2, s16  }
0x7d: {  	[tilespmem:s2+$0x1000] =	vst.msk vm0, v8;
	v8 =	vor.u32 s21, v2  }
0x7e: {  	s12 =	simm.s32 $0x10;
	[tilespmem:s2+$0x1880] =	vst.msk vm0, v8  }
0x7f: {  	s13 =	simm.s32 $0x1020;
	s11 =	simm.s32 $0x1010;
	v8 =	vld [tilespmem:s12+$0x0]  }
.LBB2_6:
0x80: {  	p1 =	sne.s32 s13, $0x17F0;
	_ =	sdelay $0x3  }
0x81: {  	v9 =	vshra.s32 v8, $0x7  }
0x82: {  	vm0 =	vge.s32 v9, v0;
	vm1 =	vlt.s32 v9, v1  }
0x83: {  	vm0 =	vmand vm0, vm1  }
0x84: {  	v9 =	vmpcnt.ones.xlane vm0  }
0x85: {  	s14 =	spop (v2sf)  }
0x86: {  	(v2sf) =	vpush v9, $0x0;
	s2 =	sadd.s32 s2, s14  }
0x87: {  	[tilespmem:s2+$0x1000] =	vst.msk vm0, v8;
	v8 =	vor.u32 s11, v2;
	s11 =	smov.u32 s13  }
.Ltmp4:
0x88: {  	[tilespmem:s2+$0x1880] =	vst.msk vm0, v8;
	(pc) =	sbr.rel @p1 .LBB2_6-.Ltmp4, $3  }
0x89: {  	_ =	sdelay $0x1  }
0x8a: {  	s12 =	sadd.s32 $0x10, s12  }
0x8b: {  	s13 =	sadd.s32 $0x10, s13;
	v8 =	vld [tilespmem:s12+$0x0]  }
0x8c: {  	_ =	sdelay $0x3  }
0x8d: {  	v9 =	vshra.s32 v8, $0x7  }
0x8e: {  	vm0 =	vge.s32 v9, v0;
	vm1 =	vlt.s32 v9, v1  }
0x8f: {  	vm0 =	vmand vm0, vm1  }
0x90: {  	v9 =	vmpcnt.ones.xlane vm0;
	_ =	sdelay $0x1  }
0x91: {  	(v2sf) =	vpush v9, $0x0;
	_ =	sdelay $0x9  }
0x92: {  	s12 =	spop (v2sf)  }
0x93: {  	s2 =	sadd.s32 s2, s12  }
0x94: {  	[tilespmem:s2+$0x1000] =	vst.msk vm0, v8;
	v8 =	vor.u32 s11, v2  }
0x95: {  	s10 =	rddreg [dreg:$0x9];
	[tilespmem:s2+$0x1880] =	vst.msk vm0, v8  }
0x96: {  	[tilespmem:s7], [sflag:$0x4] =	stream.linear.gather [hbm4b:s10+s7], $0x800, $0x38;
	[tilespmem:$0x1F100] =	vst v63  }
0x97: {  	s16 =	spop (v2sf)  }
0x98: {  	_ =	swait.ge [sflag:s28], $0x800  }
0x99: {  	[sflag:s28] =	ssyncset.done $0x0  }
0x9a: {  	s17 =	simm.s32 $0x800;
	[sflag:s28] =	ssyncadd.s32 $0xFFFFF800  }
0x9b: {  	v8 =	vld [tilespmem:s17+$0x0];
	_ =	sdelay $0x4  }
0x9c: {  	v9 =	vshra.s32 v8, $0x7  }
0x9d: {  	vm14 =	vge.s32 v9, v0;
	vm15 =	vlt.s32 v9, v1  }
0x9e: {  	vm0 =	vmand vm14, vm15  }
0x9f: {  	v9 =	vmpcnt.ones.xlane vm0;
	_ =	sdelay $0x1  }
0xa0: {  	(v2sf) =	vpush v9, $0x0;
	_ =	sdelay $0x2  }
0xa1: {  	s21 =	simm.s32 $0x1800;
	s2 =	sadd.s32 s2, s16  }
0xa2: {  	[tilespmem:s2+$0x1000] =	vst.msk vm0, v8;
	v8 =	vor.u32 s21, v2  }
0xa3: {  	s12 =	simm.s32 $0x810;
	[tilespmem:s2+$0x1880] =	vst.msk vm0, v8  }
0xa4: {  	s13 =	simm.s32 $0x1820;
	s11 =	simm.s32 $0x1810;
	v8 =	vld [tilespmem:s12+$0x0]  }
.LBB2_8:
0xa5: {  	p1 =	sne.s32 s13, $0x1FF0;
	_ =	sdelay $0x3  }
0xa6: {  	v9 =	vshra.s32 v8, $0x7  }
0xa7: {  	vm0 =	vge.s32 v9, v0;
	vm1 =	vlt.s32 v9, v1  }
0xa8: {  	vm0 =	vmand vm0, vm1  }
0xa9: {  	v9 =	vmpcnt.ones.xlane vm0  }
0xaa: {  	s14 =	spop (v2sf)  }
0xab: {  	(v2sf) =	vpush v9, $0x0;
	s2 =	sadd.s32 s2, s14  }
0xac: {  	[tilespmem:s2+$0x1000] =	vst.msk vm0, v8;
	v8 =	vor.u32 s11, v2;
	s11 =	smov.u32 s13  }
.Ltmp5:
0xad: {  	[tilespmem:s2+$0x1880] =	vst.msk vm0, v8;
	(pc) =	sbr.rel @p1 .LBB2_8-.Ltmp5, $3  }
0xae: {  	_ =	sdelay $0x1  }
0xaf: {  	s12 =	sadd.s32 $0x10, s12  }
0xb0: {  	s13 =	sadd.s32 $0x10, s13;
	v8 =	vld [tilespmem:s12+$0x0]  }
0xb1: {  	_ =	sdelay $0x3  }
0xb2: {  	v9 =	vshra.s32 v8, $0x7  }
0xb3: {  	vm0 =	vge.s32 v9, v0;
	vm1 =	vlt.s32 v9, v1  }
0xb4: {  	vm0 =	vmand vm0, vm1  }
0xb5: {  	v9 =	vmpcnt.ones.xlane vm0;
	_ =	sdelay $0x1  }
0xb6: {  	(v2sf) =	vpush v9, $0x0;
	_ =	sdelay $0x9  }
0xb7: {  	s12 =	spop (v2sf)  }
0xb8: {  	s2 =	sadd.s32 s2, s12  }
0xb9: {  	[tilespmem:s2+$0x1000] =	vst.msk vm0, v8;
	v8 =	vor.u32 s11, v2  }
0xba: {  	s17 =	simm.s32 $0x0;
	s10 =	rddreg [dreg:$0xa];
	[tilespmem:s2+$0x1880] =	vst.msk vm0, v8  }
0xbb: {  	[tilespmem:s25], [sflag:$0x5] =	stream.linear.gather [hbm4b:s10+s17], $0x800, $0x38;
	[tilespmem:$0x1F100] =	vst v63  }
0xbc: {  	s16 =	spop (v2sf)  }
0xbd: {  	_ =	swait.ge [sflag:s26], $0x800  }
0xbe: {  	[sflag:s26] =	ssyncset.done $0x0  }
0xbf: {  	[sflag:s26] =	ssyncadd.s32 $0xFFFFF800  }
0xc0: {  	v8 =	vld [tilespmem:s17+$0x0];
	_ =	sdelay $0x4  }
0xc1: {  	v9 =	vshra.s32 v8, $0x7  }
0xc2: {  	vm14 =	vge.s32 v9, v0;
	vm15 =	vlt.s32 v9, v1  }
0xc3: {  	vm0 =	vmand vm14, vm15  }
0xc4: {  	v9 =	vmpcnt.ones.xlane vm0;
	_ =	sdelay $0x1  }
0xc5: {  	(v2sf) =	vpush v9, $0x0;
	_ =	sdelay $0x2  }
0xc6: {  	s21 =	simm.s32 $0x2000;
	s2 =	sadd.s32 s2, s16  }
0xc7: {  	[tilespmem:s2+$0x1000] =	vst.msk vm0, v8;
	v8 =	vor.u32 s21, v2  }
0xc8: {  	s12 =	simm.s32 $0x10;
	[tilespmem:s2+$0x1880] =	vst.msk vm0, v8  }
0xc9: {  	s13 =	simm.s32 $0x2020;
	s11 =	simm.s32 $0x2010;
	v8 =	vld [tilespmem:s12+$0x0]  }
.LBB2_10:
0xca: {  	p1 =	sne.s32 s13, $0x27F0;
	_ =	sdelay $0x3  }
0xcb: {  	v9 =	vshra.s32 v8, $0x7  }
0xcc: {  	vm0 =	vge.s32 v9, v0;
	vm1 =	vlt.s32 v9, v1  }
0xcd: {  	vm0 =	vmand vm0, vm1  }
0xce: {  	v9 =	vmpcnt.ones.xlane vm0  }
0xcf: {  	s14 =	spop (v2sf)  }
0xd0: {  	(v2sf) =	vpush v9, $0x0;
	s2 =	sadd.s32 s2, s14  }
0xd1: {  	[tilespmem:s2+$0x1000] =	vst.msk vm0, v8;
	v8 =	vor.u32 s11, v2;
	s11 =	smov.u32 s13  }
.Ltmp6:
0xd2: {  	[tilespmem:s2+$0x1880] =	vst.msk vm0, v8;
	(pc) =	sbr.rel @p1 .LBB2_10-.Ltmp6, $3  }
0xd3: {  	_ =	sdelay $0x1  }
0xd4: {  	s12 =	sadd.s32 $0x10, s12  }
0xd5: {  	s13 =	sadd.s32 $0x10, s13;
	v8 =	vld [tilespmem:s12+$0x0]  }
0xd6: {  	_ =	sdelay $0x3  }
0xd7: {  	v9 =	vshra.s32 v8, $0x7  }
0xd8: {  	vm0 =	vge.s32 v9, v0;
	vm1 =	vlt.s32 v9, v1  }
0xd9: {  	vm0 =	vmand vm0, vm1  }
0xda: {  	v9 =	vmpcnt.ones.xlane vm0;
	_ =	sdelay $0x1  }
0xdb: {  	(v2sf) =	vpush v9, $0x0;
	_ =	sdelay $0x9  }
0xdc: {  	s12 =	spop (v2sf)  }
0xdd: {  	s2 =	sadd.s32 s2, s12  }
0xde: {  	[tilespmem:s2+$0x1000] =	vst.msk vm0, v8;
	v8 =	vor.u32 s11, v2  }
0xdf: {  	s10 =	rddreg [dreg:$0xb];
	[tilespmem:s2+$0x1880] =	vst.msk vm0, v8  }
0xe0: {  	[tilespmem:s7], [sflag:$0x4] =	stream.linear.gather [hbm4b:s10+s7], $0x800, $0x38;
	[tilespmem:$0x1F100] =	vst v63  }
0xe1: {  	s16 =	spop (v2sf)  }
0xe2: {  	_ =	swait.ge [sflag:s28], $0x800  }
0xe3: {  	[sflag:s28] =	ssyncset.done $0x0  }
0xe4: {  	s17 =	simm.s32 $0x800;
	[sflag:s28] =	ssyncadd.s32 $0xFFFFF800  }
0xe5: {  	v8 =	vld [tilespmem:s17+$0x0];
	_ =	sdelay $0x4  }
0xe6: {  	v9 =	vshra.s32 v8, $0x7  }
0xe7: {  	vm14 =	vge.s32 v9, v0;
	vm15 =	vlt.s32 v9, v1  }
0xe8: {  	vm0 =	vmand vm14, vm15  }
0xe9: {  	v9 =	vmpcnt.ones.xlane vm0;
	_ =	sdelay $0x1  }
0xea: {  	(v2sf) =	vpush v9, $0x0;
	_ =	sdelay $0x2  }
0xeb: {  	s21 =	simm.s32 $0x2800;
	s2 =	sadd.s32 s2, s16  }
0xec: {  	[tilespmem:s2+$0x1000] =	vst.msk vm0, v8;
	v8 =	vor.u32 s21, v2  }
0xed: {  	s12 =	simm.s32 $0x810;
	[tilespmem:s2+$0x1880] =	vst.msk vm0, v8  }
0xee: {  	s13 =	simm.s32 $0x2820;
	s11 =	simm.s32 $0x2810;
	v8 =	vld [tilespmem:s12+$0x0]  }
.LBB2_12:
0xef: {  	p1 =	sne.s32 s13, $0x2FF0;
	_ =	sdelay $0x3  }
0xf0: {  	v9 =	vshra.s32 v8, $0x7  }
0xf1: {  	vm0 =	vge.s32 v9, v0;
	vm1 =	vlt.s32 v9, v1  }
0xf2: {  	vm0 =	vmand vm0, vm1  }
0xf3: {  	v9 =	vmpcnt.ones.xlane vm0  }
0xf4: {  	s14 =	spop (v2sf)  }
0xf5: {  	(v2sf) =	vpush v9, $0x0;
	s2 =	sadd.s32 s2, s14  }
0xf6: {  	[tilespmem:s2+$0x1000] =	vst.msk vm0, v8;
	v8 =	vor.u32 s11, v2;
	s11 =	smov.u32 s13  }
.Ltmp7:
0xf7: {  	[tilespmem:s2+$0x1880] =	vst.msk vm0, v8;
	(pc) =	sbr.rel @p1 .LBB2_12-.Ltmp7, $3  }
0xf8: {  	_ =	sdelay $0x1  }
0xf9: {  	s12 =	sadd.s32 $0x10, s12  }
0xfa: {  	s13 =	sadd.s32 $0x10, s13;
	v8 =	vld [tilespmem:s12+$0x0]  }
0xfb: {  	_ =	sdelay $0x3  }
0xfc: {  	v9 =	vshra.s32 v8, $0x7  }
0xfd: {  	vm0 =	vge.s32 v9, v0;
	vm1 =	vlt.s32 v9, v1  }
0xfe: {  	vm0 =	vmand vm0, vm1  }
0xff: {  	v9 =	vmpcnt.ones.xlane vm0;
	_ =	sdelay $0x1  }
0x100: {  	(v2sf) =	vpush v9, $0x0;
	_ =	sdelay $0x9  }
0x101: {  	s12 =	spop (v2sf)  }
0x102: {  	s2 =	sadd.s32 s2, s12  }
0x103: {  	[tilespmem:s2+$0x1000] =	vst.msk vm0, v8;
	v8 =	vor.u32 s11, v2  }
0x104: {  	s17 =	simm.s32 $0x0;
	[tilespmem:s2+$0x1880] =	vst.msk vm0, v8  }
0x105: {  	[tilespmem:s25], [sflag:$0x5] =	stream.linear.gather [hbm4b:s18+s17], $0x800, $0x38;
	[tilespmem:$0x1F100] =	vst v63  }
0x106: {  	s16 =	spop (v2sf)  }
0x107: {  	_ =	swait.ge [sflag:s26], $0x800  }
0x108: {  	[sflag:s26] =	ssyncset.done $0x0  }
0x109: {  	[sflag:s26] =	ssyncadd.s32 $0xFFFFF800  }
0x10a: {  	v8 =	vld [tilespmem:s17+$0x0];
	_ =	sdelay $0x4  }
0x10b: {  	v9 =	vshra.s32 v8, $0x7  }
0x10c: {  	vm14 =	vge.s32 v9, v0;
	vm15 =	vlt.s32 v9, v1  }
0x10d: {  	vm0 =	vmand vm14, vm15  }
0x10e: {  	v9 =	vmpcnt.ones.xlane vm0;
	_ =	sdelay $0x1  }
0x10f: {  	(v2sf) =	vpush v9, $0x0;
	_ =	sdelay $0x2  }
0x110: {  	s21 =	simm.s32 $0x3000;
	s2 =	sadd.s32 s2, s16  }
0x111: {  	[tilespmem:s2+$0x1000] =	vst.msk vm0, v8;
	v8 =	vor.u32 s21, v2  }
0x112: {  	s12 =	simm.s32 $0x10;
	[tilespmem:s2+$0x1880] =	vst.msk vm0, v8  }
0x113: {  	s13 =	simm.s32 $0x3020;
	s11 =	simm.s32 $0x3010;
	v8 =	vld [tilespmem:s12+$0x0]  }
.LBB2_14:
0x114: {  	p1 =	sne.s32 s13, $0x37F0;
	_ =	sdelay $0x3  }
0x115: {  	v9 =	vshra.s32 v8, $0x7  }
0x116: {  	vm0 =	vge.s32 v9, v0;
	vm1 =	vlt.s32 v9, v1  }
0x117: {  	vm0 =	vmand vm0, vm1  }
0x118: {  	v9 =	vmpcnt.ones.xlane vm0  }
0x119: {  	s14 =	spop (v2sf)  }
0x11a: {  	(v2sf) =	vpush v9, $0x0;
	s2 =	sadd.s32 s2, s14  }
0x11b: {  	[tilespmem:s2+$0x1000] =	vst.msk vm0, v8;
	v8 =	vor.u32 s11, v2;
	s11 =	smov.u32 s13  }
.Ltmp8:
0x11c: {  	[tilespmem:s2+$0x1880] =	vst.msk vm0, v8;
	(pc) =	sbr.rel @p1 .LBB2_14-.Ltmp8, $3  }
0x11d: {  	_ =	sdelay $0x1  }
0x11e: {  	s12 =	sadd.s32 $0x10, s12  }
0x11f: {  	s13 =	sadd.s32 $0x10, s13;
	v8 =	vld [tilespmem:s12+$0x0]  }
0x120: {  	_ =	sdelay $0x3  }
0x121: {  	v9 =	vshra.s32 v8, $0x7  }
0x122: {  	vm0 =	vge.s32 v9, v0;
	vm1 =	vlt.s32 v9, v1  }
0x123: {  	vm0 =	vmand vm0, vm1  }
0x124: {  	v9 =	vmpcnt.ones.xlane vm0;
	_ =	sdelay $0x1  }
0x125: {  	(v2sf) =	vpush v9, $0x0;
	_ =	sdelay $0xb  }
0x126: {  	s12 =	spop (v2sf)  }
0x127: {  	s2 =	sadd.s32 s2, s12  }
0x128: {  	[tilespmem:s2+$0x1000] =	vst.msk vm0, v8;
	v8 =	vor.u32 s11, v2  }
0x129: {  	[tilespmem:s2+$0x1880] =	vst.msk vm0, v8;
	s16 =	spop (v2sf)  }
0x12a: {  	_ =	swait.ge [sflag:s28], $0x800  }
0x12b: {  	[sflag:s28] =	ssyncset.done $0x0  }
0x12c: {  	s17 =	simm.s32 $0x800;
	[sflag:s28] =	ssyncadd.s32 $0xFFFFF800  }
0x12d: {  	v8 =	vld [tilespmem:s17+$0x0];
	_ =	sdelay $0x4  }
0x12e: {  	v9 =	vshra.s32 v8, $0x7  }
0x12f: {  	vm14 =	vge.s32 v9, v0;
	vm15 =	vlt.s32 v9, v1  }
0x130: {  	vm0 =	vmand vm14, vm15  }
0x131: {  	v9 =	vmpcnt.ones.xlane vm0;
	_ =	sdelay $0x1  }
0x132: {  	(v2sf) =	vpush v9, $0x0;
	_ =	sdelay $0x2  }
0x133: {  	s21 =	simm.s32 $0x3800;
	s2 =	sadd.s32 s2, s16  }
0x134: {  	[tilespmem:s2+$0x1000] =	vst.msk vm0, v8;
	v8 =	vor.u32 s21, v2  }
0x135: {  	s12 =	simm.s32 $0x810;
	[tilespmem:s2+$0x1880] =	vst.msk vm0, v8  }
0x136: {  	s13 =	simm.s32 $0x3820;
	s11 =	simm.s32 $0x3810;
	v8 =	vld [tilespmem:s12+$0x0]  }
.LBB2_16:
0x137: {  	p1 =	sne.s32 s13, $0x3FF0;
	_ =	sdelay $0x3  }
0x138: {  	v9 =	vshra.s32 v8, $0x7  }
0x139: {  	vm0 =	vge.s32 v9, v0;
	vm1 =	vlt.s32 v9, v1  }
0x13a: {  	vm0 =	vmand vm0, vm1  }
0x13b: {  	v9 =	vmpcnt.ones.xlane vm0  }
0x13c: {  	s14 =	spop (v2sf)  }
0x13d: {  	(v2sf) =	vpush v9, $0x0;
	s2 =	sadd.s32 s2, s14  }
0x13e: {  	[tilespmem:s2+$0x1000] =	vst.msk vm0, v8;
	v8 =	vor.u32 s11, v2;
	s11 =	smov.u32 s13  }
.Ltmp9:
0x13f: {  	[tilespmem:s2+$0x1880] =	vst.msk vm0, v8;
	(pc) =	sbr.rel @p1 .LBB2_16-.Ltmp9, $3  }
0x140: {  	_ =	sdelay $0x1  }
0x141: {  	s12 =	sadd.s32 $0x10, s12  }
0x142: {  	s13 =	sadd.s32 $0x10, s13;
	v8 =	vld [tilespmem:s12+$0x0]  }
0x143: {  	_ =	sdelay $0x3  }
0x144: {  	v9 =	vshra.s32 v8, $0x7  }
0x145: {  	vm0 =	vge.s32 v9, v0;
	vm1 =	vlt.s32 v9, v1  }
0x146: {  	vm0 =	vmand vm0, vm1  }
0x147: {  	v63 =	vmpcnt.ones.xlane vm0;
	_ =	sdelay $0x1  }
0x148: {  	(v2sf) =	vpush v63, $0x0;
	_ =	sdelay $0xb  }
.Ltmp10:
0x149: {  	_ = 	snop;
	(pc) =	sbr.rel @p0 .LBB2_36-.Ltmp10, $4  }
0x14a: {  	s12 =	spop (v2sf)  }
0x14b: {  	s2 =	sadd.s32 s2, s12  }
0x14c: {  	[tilespmem:s2+$0x1000] =	vst.msk vm0, v8;
	v8 =	vor.u32 s11, v2;
	s21 =	spop (v2sf)  }
0x14d: {  	[tilespmem:s2+$0x1880] =	vst.msk vm0, v8;
	s2 =	sadd.s32 s2, s21  }
0x14e: {  	s11 =	sadd.s32 $0xF, s2  }
0x14f: {  	s12 =	sand.u32 $0xF, s11  }
0x150: {  	s21 =	sshra.s32 s11, $0x1F;
	p2 =	slt.s32 s11, $0x1;
	p1 =	sne.s32 s12, $0x0  }
.Ltmp11:
0x151: {  	s12 =	sshrl.u32 s21, $0x1C;
	p1 =	por !p2, !p1;
	(pc) =	sbr.rel .LBB2_19-.Ltmp11, $4  }
0x152: {  	s11 =	sadd.s32 s12, s11;
	s12 =	simm.s32 $0x1;
	p1 =	por !p1, !p1  }
0x153: {  	s11 =	sshra.s32 s11, $0x4;
	s12 =	simm.s32 @!p1 $0x0  }
0x154: {  	s11 =	ssub.s32 s11, s12  }
0x155: {  	v8 =	vmov s2;
	s2 =	simm.s32 $0x0;
	s12 =	simm.s32 $0x0;
	p1 =	slt.s32 s11, $0x1  }
.LBB2_30:
0x156: {  	s10 =	sadd.s32 $0x3, s13  }
0x157: {  	p2 =	sge.s32 s10, s9  }
0x158: {  	s10 =	smul.u32 @!p2 $0x7, s10;
	_ =	sdelay $0x1  }
0x159: {  	s10 =	sadd.s32 @!p2 s1, s10  }
0x15a: {  	p3 =	slt.s32 @!p2 s10, $0x1E7E  }
0x15b: {  	p3 =	por !p3, p2  }
0x15c: {  	s10 =	simm.s32 @p3 $0x1E7E  }
0x15d: {  	s10 =	sshll.u32 @!p2 s10, $0x7  }
0x15e: {  	s13 =	simm.s32 @!p2 $0x1C00;
	s10 =	sand.u32 @!p2 $0x1FFFFF80, s10  }
0x15f: {  	s14 =	simm.s32 @!p2 $0x7A1400;
	s15 =	simm.s32 @!p2 $0x10100;
	s10 =	sadd.s32 @!p2 s3, s10  }
0x160: {  	[tilespmem:s15], [sflag:$0x2] =	stream.strided.gather @!p2 [hbm4b:s10+s13], $0xE000, s14, s13, $0x38;
	[tilespmem:$0x1F100] =	vst v63  }
.LBB2_31:
0x161: {  	s12 =	sadd.s32 $0x1, s12  }
0x162: {  	p2 =	seq.s32 s12, s19  }
.Ltmp12:
0x163: {  	_ = 	snop;
	(pc) =	sbr.rel @p2 .LBB2_32-.Ltmp12, $1  }
0x164: {  	_ =	sdelay $0x3  }
.LBB2_19:
.Ltmp13:
0x165: {  	(pc) =	sbr.rel @p1 .LBB2_24-.Ltmp13, $4  }
0x166: {  	_ = 	snop  }
0x167: {  	_ =	swait.ge [sflag:s8], $0xE000  }
0x168: {  	[sflag:s8] =	ssyncset.done $0x0  }
0x169: {  	[sflag:s8] =	ssyncadd.s32 $0xFFFF2000  }
0x16a: {  	s13 =	smul.u32 $0xE, s12;
	_ =	sdelay $0x1  }
.Ltmp14:
0x16b: {  	s13 =	sadd.s32 s1, s13;
	(pc) =	sbr.rel .LBB2_21-.Ltmp14, $4  }
0x16c: {  	s14 =	sadd.s32 $0x7, s13  }
0x16d: {  	s15 =	smov.u32 s6;
	p3 =	slt.s32 s13, $0x1E7E;
	p2 =	slt.s32 s14, s6  }
0x16e: {  	v9 =	vmov s13;
	s13 =	simm.s32 @!p3 $0x1E7E;
	s15 =	smov.u32 @p2 s14  }
0x16f: {  	s13 =	sshll.u32 s13, $0x7;
	s14 =	simm.s32 $0x0;
	v10 =	vmov s15  }
.LBB2_23:
0x170: {  	s14 =	sadd.s32 $0x1, s14  }
0x171: {  	p2 =	sne.s32 s14, s11  }
.Ltmp15:
0x172: {  	_ = 	snop;
	(pc) =	sbr.rel @!p2 .LBB2_24-.Ltmp15, $1  }
0x173: {  	_ =	sdelay $0x3  }
.LBB2_21:
0x174: {  	s15 =	sshll.u32 s14, $0x4  }
0x175: {  	v11 =	vld [tilespmem:s15+$0x1000];
	_ =	sdelay $0x4  }
0x176: {  	v12 =	vor.u32 s15, v2;
	v11 =	vshra.s32 v11, $0x7  }
0x177: {  	vm0 =	vlt.s32 v12, v8;
	vm1 =	vlt.s32 v11, v10  }
0x178: {  	vm2 =	vge.s32 v11, v9;
	vm0 =	vmand vm0, vm1  }
0x179: {  	vm0 =	vmand vm0, vm2  }
0x17a: {  	v11 =	vsel vm0, $0x3F800000, v3  }
0x17b: {  	(xrf0) =	vmax.scan.msk.f32 $0xffff, v11;
	_ =	sdelay $0x5  }
0x17c: {  	v11, _, _ =	vpop (xrf0)  }
0x17d: {  	(v2sf) =	vpush v11, $0xF;
	_ =	sdelay $0xe  }
0x17e: {  	s16 =	spop (v2sf)  }
0x17f: {  	p2 =	sgt.f32 s16, $0.0e+00  }
.Ltmp16:
0x180: {  	_ = 	snop;
	(pc) =	sbr.rel @!p2 .LBB2_23-.Ltmp16, $1  }
0x181: {  	_ =	sdelay $0x3  }
.LBB2_22:
0x182: {  	v11 =	vmctz.xlane vm0;
	_ =	sdelay $0x1  }
0x183: {  	(v2sf) =	vpush v11, $0x0;
	_ =	sdelay $0xe  }
0x184: {  	s16 =	spop (v2sf)  }
0x185: {  	s16 =	sadd.s32 s15, s16  }
0x186: {  	v12 =	vmov s16;
	_ =	sdelay $0x4  }
0x187: {  	v13 =	vld.idx.msk [tilespmem:v12+s29+$0x0], $0xffff;
	_ =	sdelay $0x4  }
0x188: {  	v12 =	vld.idx.msk [tilespmem:v12+s30+$0x0], $0xffff;
	(v2sf) =	vpush v13, $0x0;
	_ =	sdelay $0x4  }
0x189: {  	(v2sf) =	vpush v12, $0x0;
	_ =	sdelay $0x9  }
0x18a: {  	s10 =	spop (v2sf)  }
0x18b: {  	s16 =	ssub.s32 s10, s13  }
0x18c: {  	v11 =	vbroadcast v11, $0x0;
	v61 =	vmov s16  }
0x18d: {  	v62 =	vshll.u32 v61, $0x3  }
0x18e: {  	p2 =	slt.s32 s2, $0x20;
	vm1 =	vne.s32 v11, v2;
	v12 =	vand.u32 $0x7F, v61;
	v13 =	vand.u32 $0xFFFFFC00, v62  }
0x18f: {  	vm0 =	vmand vm0, vm1;
	s17 =	spop (v2sf);
	s10 =	simm.s32 @!p2 $0x3;
	v12 =	vor.u32 v12, v13  }
0x190: {  	v14 =	vsel vm0, $0x3F800000, v3;
	_ =	swait.ge @!p2 [sflag:s10], $0x800;
	v13 =	vadd.s32 v4, v12  }
0x191: {  	(xrf0) =	vmax.scan.msk.f32 $0xffff, v14;
	_ =	sdelay $0x1  }
0x192: {  	[sflag:s10] =	ssyncset.done @!p2 $0x0  }
0x193: {  	[sflag:s10] =	ssyncadd.s32 @!p2 $0xFFFFF800  }
0x194: {  	v13 =	vld.idx.msk [tilespmem:v13+s23+$0x0], $0xffff  }
0x195: {  	p2 =	sgt.s32 s2, $0x1F;
	v11 =	vadd.s32 v5, v12  }
0x196: {  	s2 =	simm.s32 @p2 $0x0;
	v14, _, _ =	vpop (xrf0)  }
0x197: {  	s21 =	sshll.u32 s2, $0x9;
	(v2sf) =	vpush v14, $0xF  }
0x198: {  	s10 =	sshra.s32 s21, $0x2  }
0x199: {  	[tilespmem:s10+$0x1E100] =	vst v13  }
0x19a: {  	v11 =	vld.idx.msk [tilespmem:v11+s23+$0x0], $0xffff  }
0x19b: {  	v63 =	vadd.s32 v6, v12;
	_ =	sdelay $0x3  }
0x19c: {  	[tilespmem:s10+$0x1E110] =	vst v11  }
0x19d: {  	v11 =	vld.idx.msk [tilespmem:v63+s23+$0x0], $0xffff  }
0x19e: {  	v12 =	vadd.s32 v7, v12;
	_ =	sdelay $0x3  }
0x19f: {  	[tilespmem:s10+$0x1E120] =	vst v11  }
0x1a0: {  	s21 =	spop (v2sf);
	v11 =	vld.idx.msk [tilespmem:v12+s23+$0x0], $0xffff  }
0x1a1: {  	p2 =	sgt.f32 s21, $0.0e+00  }
.Ltmp17:
0x1a2: {  	_ = 	snop;
	(pc) =	sbr.rel @p2 .LBB2_22-.Ltmp17, $4  }
0x1a3: {  	s16 =	sshll.u32 s17, $0x3  }
0x1a4: {  	s16 =	sand.u32 $0x1FFFFFF8, s16  }
0x1a5: {  	s16 =	sadd.s32 s5, s16;
	s2 =	sadd.s32 $0x1, s2;
	s17 =	sadd.s32 $0x1E100, s10;
	[tilespmem:s10+$0x1E130] =	vst v11  }
0x1a6: {  	[hbm4b:s16+s7] =	stream.linear.scatter [tilespmem:s17], [sflag:$0x3], $0x40, $0x38;
	[tilespmem:$0x1F100] =	vst v63  }
.Ltmp18:
0x1a7: {  	_ = 	snop;
	(pc) =	sbr.rel .LBB2_23-.Ltmp18, $1  }
0x1a8: {  	_ =	sdelay $0x3  }
.LBB2_24:
0x1a9: {  	s13 =	sshll.u32 s12, $0x1  }
0x1aa: {  	s10 =	sadd.s32 $0x2, s13  }
0x1ab: {  	p2 =	sge.s32 s10, s9  }
0x1ac: {  	s10 =	smul.u32 @!p2 $0x7, s10;
	_ =	sdelay $0x1  }
0x1ad: {  	s10 =	sadd.s32 @!p2 s1, s10  }
0x1ae: {  	p3 =	slt.s32 @!p2 s10, $0x1E7E  }
0x1af: {  	p3 =	por !p3, p2  }
0x1b0: {  	s10 =	simm.s32 @p3 $0x1E7E  }
0x1b1: {  	s10 =	sshll.u32 @!p2 s10, $0x7  }
0x1b2: {  	s14 =	sshllo.u32 s12, $0x1;
	s15 =	simm.s32 @!p2 $0x1C00;
	s10 =	sand.u32 @!p2 $0x1FFFFF80, s10  }
0x1b3: {  	s16 =	simm.s32 @!p2 $0x7A1400;
	s17 =	simm.s32 @!p2 $0x2100;
	s10 =	sadd.s32 @!p2 s3, s10  }
0x1b4: {  	[tilespmem:s17], [sflag:$0x1] =	stream.strided.gather @!p2 [hbm4b:s10+s15], $0xE000, s16, s15, $0x38;
	[tilespmem:$0x1F100] =	vst v63  }
0x1b5: {  	p2 =	sge.s32 s14, s9  }
.Ltmp19:
0x1b6: {  	_ = 	snop;
	(pc) =	sbr.rel @p2 .LBB2_31-.Ltmp19, $1  }
0x1b7: {  	_ =	sdelay $0x3  }
.Ltmp20:
0x1b8: {  	(pc) =	sbr.rel @p1 .LBB2_30-.Ltmp20, $4  }
0x1b9: {  	_ = 	snop  }
0x1ba: {  	_ =	swait.ge [sflag:s31], $0xE000  }
0x1bb: {  	[sflag:s31] =	ssyncset.done $0x0  }
0x1bc: {  	[sflag:s31] =	ssyncadd.s32 $0xFFFF2000  }
0x1bd: {  	s10 =	smul.u32 $0x7, s14;
	_ =	sdelay $0x1  }
.Ltmp21:
0x1be: {  	s10 =	sadd.s32 s1, s10;
	(pc) =	sbr.rel .LBB2_27-.Ltmp21, $4  }
0x1bf: {  	s14 =	sadd.s32 $0x7, s10  }
0x1c0: {  	s15 =	smov.u32 s6;
	p3 =	slt.s32 s10, $0x1E7E;
	p2 =	slt.s32 s14, s6  }
0x1c1: {  	v9 =	vmov s10;
	s10 =	simm.s32 @!p3 $0x1E7E;
	s15 =	smov.u32 @p2 s14  }
0x1c2: {  	s14 =	sshll.u32 s10, $0x7;
	v10 =	vmov s15;
	s15 =	simm.s32 $0x0  }
.LBB2_29:
0x1c3: {  	s15 =	sadd.s32 $0x1, s15  }
0x1c4: {  	p2 =	sne.s32 s15, s11  }
.Ltmp22:
0x1c5: {  	_ = 	snop;
	(pc) =	sbr.rel @!p2 .LBB2_30-.Ltmp22, $1  }
0x1c6: {  	_ =	sdelay $0x3  }
.LBB2_27:
0x1c7: {  	s16 =	sshll.u32 s15, $0x4  }
0x1c8: {  	v11 =	vld [tilespmem:s16+$0x1000];
	_ =	sdelay $0x4  }
0x1c9: {  	v12 =	vor.u32 s16, v2;
	v11 =	vshra.s32 v11, $0x7  }
0x1ca: {  	vm0 =	vlt.s32 v12, v8;
	vm1 =	vlt.s32 v11, v10  }
0x1cb: {  	vm2 =	vge.s32 v11, v9;
	vm0 =	vmand vm0, vm1  }
0x1cc: {  	vm0 =	vmand vm0, vm2  }
0x1cd: {  	v11 =	vsel vm0, $0x3F800000, v3  }
0x1ce: {  	(xrf0) =	vmax.scan.msk.f32 $0xffff, v11;
	_ =	sdelay $0x5  }
0x1cf: {  	v11, _, _ =	vpop (xrf0)  }
0x1d0: {  	(v2sf) =	vpush v11, $0xF;
	_ =	sdelay $0xe  }
0x1d1: {  	s10 =	spop (v2sf)  }
0x1d2: {  	p2 =	sgt.f32 s10, $0.0e+00  }
.Ltmp23:
0x1d3: {  	_ = 	snop;
	(pc) =	sbr.rel @!p2 .LBB2_29-.Ltmp23, $1  }
0x1d4: {  	_ =	sdelay $0x3  }
.LBB2_28:
0x1d5: {  	v11 =	vmctz.xlane vm0;
	_ =	sdelay $0x1  }
0x1d6: {  	(v2sf) =	vpush v11, $0x0;
	_ =	sdelay $0xe  }
0x1d7: {  	s10 =	spop (v2sf)  }
0x1d8: {  	s10 =	sadd.s32 s16, s10  }
0x1d9: {  	v12 =	vmov s10;
	_ =	sdelay $0x4  }
0x1da: {  	v13 =	vld.idx.msk [tilespmem:v12+s29+$0x0], $0xffff;
	_ =	sdelay $0x4  }
0x1db: {  	(v2sf) =	vpush v13, $0x0;
	_ =	sdelay $0x1  }
0x1dc: {  	v12 =	vld.idx.msk [tilespmem:v12+s30+$0x0], $0xffff;
	_ =	sdelay $0x4  }
0x1dd: {  	(v2sf) =	vpush v12, $0x0;
	_ =	sdelay $0x7  }
0x1de: {  	s17 =	spop (v2sf)  }
0x1df: {  	s10 =	ssub.s32 s17, s14  }
0x1e0: {  	v61 =	vmov s10  }
0x1e1: {  	v62 =	vshll.u32 v61, $0x3  }
0x1e2: {  	v12 =	vand.u32 $0x7F, v61;
	v13 =	vand.u32 $0xFFFFFC00, v62  }
0x1e3: {  	v12 =	vor.u32 v12, v13  }
0x1e4: {  	p2 =	slt.s32 s2, $0x20;
	v13 =	vadd.s32 v4, v12  }
0x1e5: {  	s17 =	simm.s32 @!p2 $0x3;
	s10 =	spop (v2sf)  }
0x1e6: {  	_ =	swait.ge @!p2 [sflag:s17], $0x800  }
0x1e7: {  	v11 =	vbroadcast v11, $0x0;
	[sflag:s17] =	ssyncset.done @!p2 $0x0  }
0x1e8: {  	[sflag:s17] =	ssyncadd.s32 @!p2 $0xFFFFF800  }
0x1e9: {  	vm1 =	vne.s32 v11, v2;
	v13 =	vld.idx.msk [tilespmem:v13+s24+$0x0], $0xffff  }
0x1ea: {  	vm0 =	vmand vm0, vm1;
	p2 =	sgt.s32 s2, $0x1F;
	v11 =	vadd.s32 v5, v12  }
0x1eb: {  	v14 =	vsel vm0, $0x3F800000, v3;
	s2 =	simm.s32 @p2 $0x0  }
0x1ec: {  	(xrf0) =	vmax.scan.msk.f32 $0xffff, v14;
	s21 =	sshll.u32 s2, $0x9  }
0x1ed: {  	s17 =	sshra.s32 s21, $0x2  }
0x1ee: {  	[tilespmem:s17+$0x1E100] =	vst v13  }
0x1ef: {  	v11 =	vld.idx.msk [tilespmem:v11+s24+$0x0], $0xffff  }
0x1f0: {  	v63 =	vadd.s32 v6, v12;
	_ =	sdelay $0x1  }
0x1f1: {  	v14, _, _ =	vpop (xrf0)  }
0x1f2: {  	(v2sf) =	vpush v14, $0xF  }
0x1f3: {  	[tilespmem:s17+$0x1E110] =	vst v11  }
0x1f4: {  	v11 =	vld.idx.msk [tilespmem:v63+s24+$0x0], $0xffff  }
0x1f5: {  	v12 =	vadd.s32 v7, v12;
	_ =	sdelay $0x3  }
0x1f6: {  	[tilespmem:s17+$0x1E120] =	vst v11  }
0x1f7: {  	v11 =	vld.idx.msk [tilespmem:v12+s24+$0x0], $0xffff;
	_ =	sdelay $0x2  }
0x1f8: {  	s10 =	sshll.u32 s10, $0x3  }
0x1f9: {  	s10 =	sand.u32 $0x1FFFFFF8, s10  }
0x1fa: {  	s10 =	sadd.s32 s5, s10;
	s21 =	sadd.s32 $0x1E100, s17;
	[tilespmem:s17+$0x1E130] =	vst v11  }
0x1fb: {  	[hbm4b:s10+s7] =	stream.linear.scatter [tilespmem:s21], [sflag:$0x3], $0x40, $0x38;
	[tilespmem:$0x1F100] =	vst v63  }
0x1fc: {  	s21 =	spop (v2sf)  }
0x1fd: {  	p2 =	sgt.f32 s21, $0.0e+00  }
.Ltmp24:
0x1fe: {  	_ = 	snop;
	(pc) =	sbr.rel @p2 .LBB2_28-.Ltmp24, $2  }
0x1ff: {  	_ =	sdelay $0x2  }
0x200: {  	s2 =	sadd.s32 $0x1, s2  }
.Ltmp25:
0x201: {  	_ = 	snop;
	(pc) =	sbr.rel .LBB2_29-.Ltmp25, $1  }
0x202: {  	_ =	sdelay $0x3  }
.LBB2_32:
0x203: {  	p1 =	sgt.s32 s2, $0x0  }
.Ltmp26:
0x204: {  	_ = 	snop;
	(pc) =	sbr.rel @!p1 .LBB2_36-.Ltmp26, $1  }
0x205: {  	_ =	sdelay $0x3  }
0x206: {  	p1 =	sne.s32 s2, $0x1  }
.Ltmp27:
0x207: {  	_ = 	snop;
	(pc) =	sbr.rel @!p1 .LBB2_35-.Ltmp27, $3  }
0x208: {  	_ =	sdelay $0x1  }
0x209: {  	_ =	swait.ge [sflag:s4], $0x40  }
0x20a: {  	s2 =	sadd.s32 $0xFFFFFFFF, s2;
	[sflag:s4] =	ssyncset.done $0x0  }
.LBB2_34:
0x20b: {  	p1 =	sne.s32 s2, $0x1;
	s2 =	sadd.s32 $0xFFFFFFFF, s2;
	[sflag:s4] =	ssyncadd.s32 $0xFFFFFFC0  }
.Ltmp28:
0x20c: {  	(pc) =	sbr.rel @p1 .LBB2_34-.Ltmp28, $3  }
0x20d: {  	_ =	sdelay $0x1  }
0x20e: {  	_ =	swait.ge [sflag:s4], $0x40  }
0x20f: {  	[sflag:s4] =	ssyncset.done $0x0  }
.Ltmp29:
0x210: {  	_ = 	snop;
	(pc) =	sbr.rel .LBB2_35-.Ltmp29, $1  }
0x211: {  	_ =	sdelay $0x3  }
.LBB2_37:
0x212: {  	_ =	sfence.sel $0x180000  }
0x213: {  	[bflag:$0x0] =	sbarrier.arrive $0xFFFF  }
0x214: {  	_ =	strace $0x90000047  }
0x215: {  	s0 =	stileid.u32;
	[bflag:$0x2] =	sbarrier.arrive $0xFFFF  }
0x216: {  	p0 =	sne.s32 s0, $0x0;
	s0 =	rddreg [dreg:$0x3]  }
0x217: {  	s0 =	sadd.s32 @!p0 $0x100000, s0  }
0x218: {  	[sflag:s0] =	ssyncadd.tile.s32 @!p0 $0x1;
	_ =	shalt  }
.Lfunc_end2:
_tile_overlayer_lowered:
.L_overlay_start_2:
0x219: {  	(tag) =	ssettag $0x2  }
0x21a: {  	s0 =	rddreg [dreg:$0x0];
	s2 =	stileid.u32  }
0x21b: {  	s1 =	rddreg [dreg:$0x1];
	p0 =	sne.s32 s2, $0x0  }
0x21c: {  	s3 =	rddreg [dreg:$0x2];
	[bflag:$0x3] =	sbarrier.arrive $0xFFFF;
	s2 =	simm.s32 @!p0 $0x1C06  }
0x21d: {  	[timem:s3], [sflag:s2] =	dma.local @!p0 [hbm:s0], s1  }
0x21e: {  	s0 =	simm.s32 @!p0 $0x6  }
0x21f: {  	_ =	swait.ge @!p0 [sflag:s0], s1  }
0x220: {  	s1 =	ssub.s32 @!p0 $0x0, s1;
	[sflag:s0] =	ssyncset.done @!p0 $0x0  }
0x221: {  	[sflag:s0] =	ssyncadd.s32 @!p0 s1  }
0x222: {  	[bflag:$0x3] =	sbarrier.arrive $0xFFFF  }
0x223: {  	_ =	shalt  }

</sc_bundles>
